<compile_context>
chip_gen: v7x
topology: tpu7x:2x2x1
jax: 0.10.2.dev20260603
libtpu: 0.0.44.dev20260713+nightly
codegen_flags: <defaults>
</compile_context>

<pallas_src>
import functools

import jax
import jax.numpy as jnp
from jax import lax
from jax.experimental import pallas as pl
from jax.experimental.pallas import tpu as pltpu
from jax.experimental.pallas import tpu_sc as plsc

_G = 64

_NC = 2
_NS = 16
_CHUNK = 80
_NPAD = 10112


def _pool(onehot, h):
    n = h.shape[0]
    s1 = lax.dot_general(onehot, h, (((0,), (0,)), ((), ())),
                         preferred_element_type=jnp.float32)
    s2 = lax.dot_general(onehot, h * h, (((0,), (0,)), ((), ())),
                         preferred_element_type=jnp.float32)
    cnt = lax.dot_general(onehot, jnp.ones((n, 1), jnp.float32),
                          (((0,), (0,)), ((), ())),
                          preferred_element_type=jnp.float32)
    cnt = jnp.maximum(cnt, 1.0)
    emb = s1 / cnt
    var = jnp.maximum(s2 / cnt - emb * emb, 0.0)
    return emb, jnp.sqrt(var)


def _bn(h, gamma, beta):
    mu = jnp.mean(h, axis=0, keepdims=True)
    var = jnp.mean((h - mu) ** 2, axis=0, keepdims=True)
    return gamma * (h - mu) * lax.rsqrt(var + 1e-5) + beta


def _onehot(batch2d, n):
    seg_iota = lax.broadcasted_iota(jnp.int32, (n, _G), 1)
    return (batch2d == seg_iota).astype(jnp.float32)


def _transform_body(x_ref, wt_ref, bt_ref, g_ref, beta_ref,
                    h_ref):
    n = x_ref.shape[0]
    h = lax.dot_general(x_ref[:], wt_ref[:], (((1,), (1,)), ((), ())),
                        preferred_element_type=jnp.float32) + bt_ref[:]
    h = _bn(h, g_ref[:], beta_ref[:])
    h_ref[pl.ds(0, n), :] = h


def _transform(x, Wt, bt, g0, beta0):
    n, f = x.shape
    nh = Wt.shape[0]
    return pl.pallas_call(
        _transform_body,
        out_shape=jax.ShapeDtypeStruct((_NPAD, nh), jnp.float32),
    )(x, Wt, bt, g0, beta0)


def _pool_body(n, h_ref, b_ref, emb_ref, std_ref):
    h = h_ref[pl.ds(0, n), :]
    emb, std = _pool(_onehot(b_ref[:], n), h)
    emb_ref[:] = emb
    std_ref[:] = std


def _pool_call(h_pad, batch2d):
    n = batch2d.shape[0]
    f = h_pad.shape[1]
    return pl.pallas_call(
        functools.partial(_pool_body, n),
        out_shape=[
            jax.ShapeDtypeStruct((_G, f), jnp.float32),
            jax.ShapeDtypeStruct((_G, f), jnp.float32),
        ],
    )(h_pad, batch2d)


def _layer_body(n, h_ref, agg_ref, w1_ref, w2_ref, g_ref, beta_ref,
                ho_ref):
    z = (h_ref[pl.ds(0, n), :] + agg_ref[0, pl.ds(0, n), :]
         + agg_ref[1, pl.ds(0, n), :])
    z = jnp.maximum(
        lax.dot_general(z, w1_ref[:], (((1,), (1,)), ((), ())),
                        preferred_element_type=jnp.float32), 0.0)
    z = lax.dot_general(z, w2_ref[:], (((1,), (1,)), ((), ())),
                        preferred_element_type=jnp.float32)
    h = jnp.maximum(z, 0.0)
    h = _bn(h, g_ref[:], beta_ref[:])
    ho_ref[pl.ds(0, n), :] = h


def _layer(h_pad, agg_parts, W1, W2, g, beta, n):
    f = h_pad.shape[1]
    return pl.pallas_call(
        functools.partial(_layer_body, n),
        out_shape=jax.ShapeDtypeStruct((_NPAD, f), jnp.float32),
    )(h_pad, agg_parts, W1, W2, g, beta)


def _segsum(h_pad, src, dst3, zeros_pad):
    n, f = h_pad.shape
    e = src.shape[0]
    nw = _NC * _NS
    epw = e // nw
    nch = epw // _CHUNK
    rpw = n // _NS

    assert nch % 2 == 1 and nch >= 3

    mesh = plsc.VectorSubcoreMesh(core_axis_name="c", subcore_axis_name="s")

    @functools.partial(
        pl.kernel,
        mesh=mesh,
        out_type=jax.ShapeDtypeStruct((_NC, n, f), jnp.float32),
        scratch_types=[
            pltpu.VMEM((epw,), jnp.int32),
            pltpu.VMEM((nch, _CHUNK), jnp.int32),
            pltpu.VMEM((_CHUNK, f), jnp.float32),
            pltpu.VMEM((_CHUNK, f), jnp.float32),
            pltpu.VMEM_SHARED((n, f), jnp.float32),
            pltpu.SemaphoreType.DMA,
            pltpu.SemaphoreType.DMA,
            pltpu.SemaphoreType.DMA,
        ],
    )
    def k(h_hbm, src_hbm, dst3_hbm, z_hbm, out_hbm,
          src_v, dst_v, r0_v, r1_v, acc_sh, *sems):
        rows = (r0_v, r1_v)
        gsem = sems[0:2]
        zsem = sems[2]
        cid = lax.axis_index("c")
        sid = lax.axis_index("s")
        w = cid * _NS + sid
        r0 = sid * rpw
        zcp = pltpu.make_async_copy(z_hbm.at[pl.ds(r0, rpw)],
                                    acc_sh.at[pl.ds(r0, rpw)], zsem)
        zcp.start()
        pltpu.sync_copy(src_hbm.at[pl.ds(w * epw, epw)], src_v)
        pltpu.sync_copy(dst3_hbm.at[w], dst_v)

        def gather(c, k_):
            pltpu.async_copy(
                h_hbm.at[src_v.at[pl.ds(c * _CHUNK, _CHUNK)]],
                rows[k_], gsem[k_])

        def gwait(k_):
            pltpu.make_async_copy(
                h_hbm.at[src_v.at[pl.ds(0, _CHUNK)]],
                rows[k_], gsem[k_]).wait()

        def scat(c, k_):
            pltpu.sync_copy(rows[k_],
                            acc_sh.at[dst_v.at[c]], add=True)

        gather(0, 0)
        zcp.wait()
        plsc.subcore_barrier()

        def body(b, carry):
            c = 1 + 2 * b
            gather(c, 1)
            gwait(0)
            scat(c - 1, 0)
            gather(c + 1, 0)
            gwait(1)
            scat(c, 1)
            return carry

        lax.fori_loop(0, (nch - 1) // 2, body, 0)
        gwait(0)
        scat(nch - 1, 0)

        plsc.subcore_barrier()
        pltpu.sync_copy(acc_sh.at[pl.ds(r0, rpw)],
                        out_hbm.at[cid, pl.ds(r0, rpw)])

    return k(h_pad, src, dst3, zeros_pad)


def kernel(x, edge_index, batch, Wt, bt, g0, beta0, W1s, W2s, gs, bs):
    n, f = x.shape
    nlayer = W1s.shape[0]
    src = edge_index[0]
    dst3 = edge_index[1].reshape(_NC * _NS, -1, _CHUNK)
    batch2d = batch.reshape(n, 1)
    zeros_pad = jnp.zeros((_NPAD, Wt.shape[0]), jnp.float32)

    h = _transform(x, Wt, bt.reshape(1, -1), g0.reshape(1, -1),
                   beta0.reshape(1, -1))
    emb, std = _pool_call(h, batch2d)
    embeds = [emb]
    stds = [std]
    for i in range(nlayer):
        parts = _segsum(h, src, dst3, zeros_pad)
        h = _layer(h, parts, W1s[i], W2s[i], gs[i].reshape(1, -1),
                   bs[i].reshape(1, -1), n)
        emb, std = _pool_call(h, batch2d)
        embeds.append(emb)
        stds.append(std)
    return jnp.stack(embeds), jnp.stack(stds)

# --- scband reference (transcript-rebuilt; emitter-appended) ---
"""Pipeline reference for scband-gin-10213432229988 (READ-ONLY COPY).

The authoritative reference and input builder live on the scoring server;
editing this copy changes nothing except your own understanding.
"""

import jax, jax.numpy as jnp
import numpy as np

N = 10000
E = 320000
NFEAT = 128
NHID = 128
NLAYER = 3
G = 64


def seg_mean(v, seg, num_segments):
    s = jax.ops.segment_sum(v, seg, num_segments=num_segments)
    cnt = jax.ops.segment_sum(jnp.ones((v.shape[0], 1), v.dtype), seg, num_segments=num_segments)
    return s / jnp.clip(cnt, 1.0)


def batch_norm(v, gamma, beta):
    mu = v.mean(axis=0)
    var = v.var(axis=0)
    return gamma * (v - mu) / jnp.sqrt(var + 1e-5) + beta


def setup_inputs(seed: int = 0):
    key = jax.random.key(seed)
    ks = jax.random.split(key, 8)
    x = jax.random.normal(ks[0], (N, NFEAT), dtype=jnp.float32)
    edge_index = jax.random.randint(ks[1], (2, E), 0, N, dtype=jnp.int32)
    batch = jnp.sort(jax.random.randint(ks[2], (N,), 0, G, dtype=jnp.int32))
    Wt = jax.random.normal(ks[3], (NHID, NFEAT), dtype=jnp.float32) / np.sqrt(NFEAT)
    bt = jnp.zeros((NHID,), dtype=jnp.float32)
    g0 = jnp.ones((NHID,), dtype=jnp.float32)
    beta0 = jnp.zeros((NHID,), dtype=jnp.float32)
    W1s = jax.random.normal(ks[4], (NLAYER, NHID, NHID), dtype=jnp.float32) / np.sqrt(NHID)
    W2s = jax.random.normal(ks[5], (NLAYER, NHID, NHID), dtype=jnp.float32) / np.sqrt(NHID)
    gs = jnp.ones((NLAYER, NHID), dtype=jnp.float32)
    bs = jnp.zeros((NLAYER, NHID), dtype=jnp.float32)
    return {"x": x, "edge_index": edge_index, "batch": batch, "Wt": Wt, "bt": bt,
            "g0": g0, "beta0": beta0, "W1s": W1s, "W2s": W2s, "gs": gs, "bs": bs}


def reference(x, edge_index, batch, Wt, bt, g0, beta0, W1s, W2s, gs, bs):
    # transform: Linear(nfeat, nhid) + BatchNorm1d (training-mode batch stats)
    h = x @ Wt.T + bt
    h = batch_norm(h, g0, beta0)
    embed = seg_mean(h, batch, G)
    std = jnp.sqrt(seg_mean((h - embed[batch]) ** 2, batch, G))
    graph_embeds = [embed]
    graph_stds = [std]
    src = edge_index[0]
    dst = edge_index[1]
    for i in range(NLAYER):
        # GINConv: nn((1+eps)*x + sum_{j in N(i)} x_j), eps=0 (default)
        agg = jax.ops.segment_sum(h[src], dst, num_segments=N)
        z = h + agg
        z = jax.nn.relu(z @ W1s[i].T)
        z = z @ W2s[i].T
        h = jax.nn.relu(z)
        h = batch_norm(h, gs[i], bs[i])
        embed = seg_mean(h, batch, G)
        std = jnp.sqrt(seg_mean((h - embed[batch]) ** 2, batch, G))
        graph_embeds.append(embed)
        graph_stds.append(std)
    return jnp.stack(graph_embeds), jnp.stack(graph_stds)

if __name__ == "__main__":
    import jax
    _d = setup_inputs()
    print(jax.jit(kernel)(*tuple(_d.values())))

</pallas_src>

<mosaic_0001>
#map = affine_map<(d0, d1) -> (0, 0)>
#map1 = affine_map<(d0, d1) -> (0)>
#map2 = affine_map<(d0, d1) -> (0, 0, 0)>
module attributes {stable_mosaic.version = 14 : i64} {
  func.func @k(%arg0: i32, %arg1: i32, %arg2: memref<10112x128xf32, #tpu.memory_space<hbm>>, %arg3: memref<320000xi32, #tpu.memory_space<hbm>>, %arg4: memref<32x125x80xi32, #tpu.memory_space<hbm>>, %arg5: memref<10112x128xf32, #tpu.memory_space<hbm>>, %arg6: memref<2x10112x128xf32, #tpu.memory_space<hbm>>, %arg7: memref<10000xi32, #tpu.memory_space<vmem>>, %arg8: memref<125x80xi32, #tpu.memory_space<vmem>>, %arg9: memref<80x128xf32, #tpu.memory_space<vmem>>, %arg10: memref<80x128xf32, #tpu.memory_space<vmem>>, %arg11: memref<10112x128xf32, #tpu.memory_space<vmem_shared>>, %arg12: memref<!tpu.dma_semaphore, #tpu.memory_space<semaphore_mem>>, %arg13: memref<!tpu.dma_semaphore, #tpu.memory_space<semaphore_mem>>, %arg14: memref<!tpu.dma_semaphore, #tpu.memory_space<semaphore_mem>>) attributes {dimension_semantics = [#tpu.dimension_semantics<core_parallel>, #tpu.dimension_semantics<subcore_parallel>], iteration_bounds = array<i64: 2, 16>, scalar_prefetch = 0 : i64, scratch_operands = 8 : i64, tpu.core_type = #tpu.core_type<sc_vector_subcore>, window_params = [{transform_indices = #map}, {transform_indices = #map1}, {transform_indices = #map2}, {transform_indices = #map}, {transform_indices = #map2}]} {
    %mul3A = arith.constant 16 : i32
    %mul3A_0 = arith.muli %arg0, %mul3A : i32
    %add3A = arith.addi %mul3A_0, %arg1 : i32
    %mul3A_1 = arith.constant 632 : i32
    %mul3A_2 = arith.muli %arg1, %mul3A_1 : i32
    %dma_start3A = arith.constant 0 : i32
    %dma_start3A_3 = tpu.memref_slice %arg11[%mul3A_2, %dma_start3A] : memref<10112x128xf32, #tpu.memory_space<vmem_shared>> -> memref<632x128xf32, #tpu.memory_space<vmem_shared>>
    %dma_start3A_4 = arith.constant 0 : i32
    %dma_start3A_5 = tpu.memref_slice %arg5[%mul3A_2, %dma_start3A_4] : memref<10112x128xf32, #tpu.memory_space<hbm>> -> memref<632x128xf32, #tpu.memory_space<hbm>>
    tpu.enqueue_dma source(%dma_start3A_5 : memref<632x128xf32, #tpu.memory_space<hbm>>) target(%dma_start3A_3 : memref<632x128xf32, #tpu.memory_space<vmem_shared>>) target_semaphore(%arg14 : memref<!tpu.dma_semaphore, #tpu.memory_space<semaphore_mem>>)
    %mul3A_6 = arith.constant 10000 : i32
    %mul3A_7 = arith.muli %add3A, %mul3A_6 : i32
    "tpu.region"() ({
      %run_scoped3A_27 = tpu.sem_alloc : memref<!tpu.dma_semaphore, #tpu.memory_space<semaphore_mem>>
      %dma_start3A_28 = tpu.memref_slice %arg3[%mul3A_7] : memref<320000xi32, #tpu.memory_space<hbm>> -> memref<10000xi32, #tpu.memory_space<hbm>>
      %dma_start3A_29 = tpu.memref_slice %arg3[%mul3A_7] : memref<320000xi32, #tpu.memory_space<hbm>> -> memref<10000xi32, #tpu.memory_space<hbm>>
      tpu.enqueue_dma source(%dma_start3A_29 : memref<10000xi32, #tpu.memory_space<hbm>>) target(%arg7 : memref<10000xi32, #tpu.memory_space<vmem>>) target_semaphore(%run_scoped3A_27 : memref<!tpu.dma_semaphore, #tpu.memory_space<semaphore_mem>>)
      %dma_wait3A_30 = tpu.memref_slice %arg3[%mul3A_7] : memref<320000xi32, #tpu.memory_space<hbm>> -> memref<10000xi32, #tpu.memory_space<hbm>>
      %dma_wait3A_31 = tpu.memref_slice %arg3[%mul3A_7] : memref<320000xi32, #tpu.memory_space<hbm>> -> memref<10000xi32, #tpu.memory_space<hbm>>
      tpu.wait_dma2 semaphore(%run_scoped3A_27 : memref<!tpu.dma_semaphore, #tpu.memory_space<semaphore_mem>>) src(%dma_wait3A_31 : memref<10000xi32, #tpu.memory_space<hbm>>) dst(%arg7 : memref<10000xi32, #tpu.memory_space<vmem>>)
      tpu.yield
    }) : () -> ()
    "tpu.region"() ({
      %run_scoped3A_27 = tpu.sem_alloc : memref<!tpu.dma_semaphore, #tpu.memory_space<semaphore_mem>>
      %dma_start3A_28 = arith.constant 0 : i32
      %dma_start3A_29 = arith.constant 0 : i32
      %dma_start3A_30 = tpu.memref_slice %arg4[%add3A, %dma_start3A_28, %dma_start3A_29] : memref<32x125x80xi32, #tpu.memory_space<hbm>> -> memref<1x125x80xi32, #tpu.memory_space<hbm>>
      %dma_start3A_31 = tpu.memref_squeeze %dma_start3A_30 : memref<1x125x80xi32, #tpu.memory_space<hbm>> -> memref<125x80xi32, #tpu.memory_space<hbm>>
      %dma_start3A_32 = arith.constant 0 : i32
      %dma_start3A_33 = arith.constant 0 : i32
      %dma_start3A_34 = tpu.memref_slice %arg4[%add3A, %dma_start3A_32, %dma_start3A_33] : memref<32x125x80xi32, #tpu.memory_space<hbm>> -> memref<1x125x80xi32, #tpu.memory_space<hbm>>
      %dma_start3A_35 = tpu.memref_squeeze %dma_start3A_34 : memref<1x125x80xi32, #tpu.memory_space<hbm>> -> memref<125x80xi32, #tpu.memory_space<hbm>>
      tpu.enqueue_dma source(%dma_start3A_35 : memref<125x80xi32, #tpu.memory_space<hbm>>) target(%arg8 : memref<125x80xi32, #tpu.memory_space<vmem>>) target_semaphore(%run_scoped3A_27 : memref<!tpu.dma_semaphore, #tpu.memory_space<semaphore_mem>>)
      %dma_wait3A_36 = arith.constant 0 : i32
      %dma_wait3A_37 = arith.constant 0 : i32
      %dma_wait3A_38 = tpu.memref_slice %arg4[%add3A, %dma_wait3A_36, %dma_wait3A_37] : memref<32x125x80xi32, #tpu.memory_space<hbm>> -> memref<1x125x80xi32, #tpu.memory_space<hbm>>
      %dma_wait3A_39 = tpu.memref_squeeze %dma_wait3A_38 : memref<1x125x80xi32, #tpu.memory_space<hbm>> -> memref<125x80xi32, #tpu.memory_space<hbm>>
      %dma_wait3A_40 = arith.constant 0 : i32
      %dma_wait3A_41 = arith.constant 0 : i32
      %dma_wait3A_42 = tpu.memref_slice %arg4[%add3A, %dma_wait3A_40, %dma_wait3A_41] : memref<32x125x80xi32, #tpu.memory_space<hbm>> -> memref<1x125x80xi32, #tpu.memory_space<hbm>>
      %dma_wait3A_43 = tpu.memref_squeeze %dma_wait3A_42 : memref<1x125x80xi32, #tpu.memory_space<hbm>> -> memref<125x80xi32, #tpu.memory_space<hbm>>
      tpu.wait_dma2 semaphore(%run_scoped3A_27 : memref<!tpu.dma_semaphore, #tpu.memory_space<semaphore_mem>>) src(%dma_wait3A_43 : memref<125x80xi32, #tpu.memory_space<hbm>>) dst(%arg8 : memref<125x80xi32, #tpu.memory_space<vmem>>)
      tpu.yield
    }) : () -> ()
    %dma_start3A_8 = arith.constant 0 : i32
    %dma_start3A_9 = tpu.memref_slice %arg7[%dma_start3A_8] : memref<10000xi32, #tpu.memory_space<vmem>> -> memref<80xi32, #tpu.memory_space<vmem>>
    %dma_start3A_10 = arith.constant 0 : i32
    %dma_start3A_11 = arith.constant 0 : i32
    %dma_start3A_12 = tpu.memref_slice %arg2[%dma_start3A_10, %dma_start3A_11] : memref<10112x128xf32, #tpu.memory_space<hbm>> -> memref<10112x128xf32, #tpu.memory_space<hbm>>
    tpu.enqueue_indirect_dma source(%dma_start3A_12 : memref<10112x128xf32, #tpu.memory_space<hbm>>) target(%arg9 : memref<80x128xf32, #tpu.memory_space<vmem>>) offsets(%dma_start3A_9 : memref<80xi32, #tpu.memory_space<vmem>>) semaphore(%arg12 : memref<!tpu.dma_semaphore, #tpu.memory_space<semaphore_mem>>)
    %dma_wait3A = arith.constant 0 : i32
    %dma_wait3A_13 = tpu.memref_slice %arg11[%mul3A_2, %dma_wait3A] : memref<10112x128xf32, #tpu.memory_space<vmem_shared>> -> memref<632x128xf32, #tpu.memory_space<vmem_shared>>
    %dma_wait3A_14 = arith.constant 0 : i32
    %dma_wait3A_15 = tpu.memref_slice %arg5[%mul3A_2, %dma_wait3A_14] : memref<10112x128xf32, #tpu.memory_space<hbm>> -> memref<632x128xf32, #tpu.memory_space<hbm>>
    tpu.wait_dma2 semaphore(%arg14 : memref<!tpu.dma_semaphore, #tpu.memory_space<semaphore_mem>>) src(%dma_wait3A_15 : memref<632x128xf32, #tpu.memory_space<hbm>>) dst(%dma_wait3A_13 : memref<632x128xf32, #tpu.memory_space<vmem_shared>>)
    %barrier3A = arith.constant 0 : index
    tpu.barrier barrier_id(%barrier3A)
    %scan3A = arith.constant 0 : i32
    %scan3A_16 = arith.constant 0 : i32
    %scan3A_17 = arith.constant 62 : i32
    %scan3A_18 = arith.addi %scan3A_16, %scan3A_17 : i32
    %scan3A_19 = arith.constant 1 : i32
    scf.for %scan3A_27 = %scan3A_16 to %scan3A_18 step %scan3A_19  : i32 {
      %mul3A_28 = arith.constant 2 : i32
      %mul3A_29 = arith.muli %mul3A_28, %scan3A_27 : i32
      %add3A_30 = arith.constant 1 : i32
      %add3A_31 = arith.addi %add3A_30, %mul3A_29 : i32
      %mul3A_32 = arith.constant 80 : i32
      %mul3A_33 = arith.muli %add3A_31, %mul3A_32 : i32
      %dma_start3A_34 = tpu.memref_slice %arg7[%mul3A_33] : memref<10000xi32, #tpu.memory_space<vmem>> -> memref<80xi32, #tpu.memory_space<vmem>>
      %dma_start3A_35 = arith.constant 0 : i32
      %dma_start3A_36 = arith.constant 0 : i32
      %dma_start3A_37 = tpu.memref_slice %arg2[%dma_start3A_35, %dma_start3A_36] : memref<10112x128xf32, #tpu.memory_space<hbm>> -> memref<10112x128xf32, #tpu.memory_space<hbm>>
      tpu.enqueue_indirect_dma source(%dma_start3A_37 : memref<10112x128xf32, #tpu.memory_space<hbm>>) target(%arg10 : memref<80x128xf32, #tpu.memory_space<vmem>>) offsets(%dma_start3A_34 : memref<80xi32, #tpu.memory_space<vmem>>) semaphore(%arg13 : memref<!tpu.dma_semaphore, #tpu.memory_space<semaphore_mem>>)
      %dma_wait3A_38 = arith.constant 0 : i32
      %dma_wait3A_39 = tpu.memref_slice %arg7[%dma_wait3A_38] : memref<10000xi32, #tpu.memory_space<vmem>> -> memref<80xi32, #tpu.memory_space<vmem>>
      %dma_wait3A_40 = arith.constant 0 : i32
      %dma_wait3A_41 = arith.constant 0 : i32
      %dma_wait3A_42 = tpu.memref_slice %arg2[%dma_wait3A_40, %dma_wait3A_41] : memref<10112x128xf32, #tpu.memory_space<hbm>> -> memref<10112x128xf32, #tpu.memory_space<hbm>>
      tpu.wait_indirect_dma semaphore(%arg12 : memref<!tpu.dma_semaphore, #tpu.memory_space<semaphore_mem>>) src(%dma_wait3A_42 : memref<10112x128xf32, #tpu.memory_space<hbm>>) dst(%arg9 : memref<80x128xf32, #tpu.memory_space<vmem>>)
      %sub3A = arith.constant 1 : i32
      %sub3A_43 = arith.subi %add3A_31, %sub3A : i32
      "tpu.region"() ({
        %run_scoped3A_57 = tpu.sem_alloc : memref<!tpu.dma_semaphore, #tpu.memory_space<semaphore_mem>>
        %dma_start3A_58 = arith.constant 0 : i32
        %dma_start3A_59 = tpu.memref_slice %arg8[%sub3A_43, %dma_start3A_58] : memref<125x80xi32, #tpu.memory_space<vmem>> -> memref<1x80xi32, #tpu.memory_space<vmem>>
        %dma_start3A_60 = tpu.memref_squeeze %dma_start3A_59 : memref<1x80xi32, #tpu.memory_space<vmem>> -> memref<80xi32, #tpu.memory_space<vmem>>
        %dma_start3A_61 = arith.constant 0 : i32
        %dma_start3A_62 = arith.constant 0 : i32
        %dma_start3A_63 = tpu.memref_slice %arg11[%dma_start3A_61, %dma_start3A_62] : memref<10112x128xf32, #tpu.memory_space<vmem_shared>> -> memref<10112x128xf32, #tpu.memory_space<vmem_shared>>
        tpu.enqueue_indirect_dma source(%arg9 : memref<80x128xf32, #tpu.memory_space<vmem>>) target(%dma_start3A_63 : memref<10112x128xf32, #tpu.memory_space<vmem_shared>>) offsets(%dma_start3A_60 : memref<80xi32, #tpu.memory_space<vmem>>) semaphore(%run_scoped3A_57 : memref<!tpu.dma_semaphore, #tpu.memory_space<semaphore_mem>>) {add = true}
        %dma_wait3A_64 = arith.constant 0 : i32
        %dma_wait3A_65 = tpu.memref_slice %arg8[%sub3A_43, %dma_wait3A_64] : memref<125x80xi32, #tpu.memory_space<vmem>> -> memref<1x80xi32, #tpu.memory_space<vmem>>
        %dma_wait3A_66 = tpu.memref_squeeze %dma_wait3A_65 : memref<1x80xi32, #tpu.memory_space<vmem>> -> memref<80xi32, #tpu.memory_space<vmem>>
        %dma_wait3A_67 = arith.constant 0 : i32
        %dma_wait3A_68 = arith.constant 0 : i32
        %dma_wait3A_69 = tpu.memref_slice %arg11[%dma_wait3A_67, %dma_wait3A_68] : memref<10112x128xf32, #tpu.memory_space<vmem_shared>> -> memref<10112x128xf32, #tpu.memory_space<vmem_shared>>
        tpu.wait_indirect_dma semaphore(%run_scoped3A_57 : memref<!tpu.dma_semaphore, #tpu.memory_space<semaphore_mem>>) src(%arg9 : memref<80x128xf32, #tpu.memory_space<vmem>>) dst(%dma_wait3A_69 : memref<10112x128xf32, #tpu.memory_space<vmem_shared>>)
        tpu.yield
      }) : () -> ()
      %add3A_44 = arith.constant 1 : i32
      %add3A_45 = arith.addi %add3A_31, %add3A_44 : i32
      %mul3A_46 = arith.constant 80 : i32
      %mul3A_47 = arith.muli %add3A_45, %mul3A_46 : i32
      %dma_start3A_48 = tpu.memref_slice %arg7[%mul3A_47] : memref<10000xi32, #tpu.memory_space<vmem>> -> memref<80xi32, #tpu.memory_space<vmem>>
      %dma_start3A_49 = arith.constant 0 : i32
      %dma_start3A_50 = arith.constant 0 : i32
      %dma_start3A_51 = tpu.memref_slice %arg2[%dma_start3A_49, %dma_start3A_50] : memref<10112x128xf32, #tpu.memory_space<hbm>> -> memref<10112x128xf32, #tpu.memory_space<hbm>>
      tpu.enqueue_indirect_dma source(%dma_start3A_51 : memref<10112x128xf32, #tpu.memory_space<hbm>>) target(%arg9 : memref<80x128xf32, #tpu.memory_space<vmem>>) offsets(%dma_start3A_48 : memref<80xi32, #tpu.memory_space<vmem>>) semaphore(%arg12 : memref<!tpu.dma_semaphore, #tpu.memory_space<semaphore_mem>>)
      %dma_wait3A_52 = arith.constant 0 : i32
      %dma_wait3A_53 = tpu.memref_slice %arg7[%dma_wait3A_52] : memref<10000xi32, #tpu.memory_space<vmem>> -> memref<80xi32, #tpu.memory_space<vmem>>
      %dma_wait3A_54 = arith.constant 0 : i32
      %dma_wait3A_55 = arith.constant 0 : i32
      %dma_wait3A_56 = tpu.memref_slice %arg2[%dma_wait3A_54, %dma_wait3A_55] : memref<10112x128xf32, #tpu.memory_space<hbm>> -> memref<10112x128xf32, #tpu.memory_space<hbm>>
      tpu.wait_indirect_dma semaphore(%arg13 : memref<!tpu.dma_semaphore, #tpu.memory_space<semaphore_mem>>) src(%dma_wait3A_56 : memref<10112x128xf32, #tpu.memory_space<hbm>>) dst(%arg10 : memref<80x128xf32, #tpu.memory_space<vmem>>)
      "tpu.region"() ({
        %run_scoped3A_57 = tpu.sem_alloc : memref<!tpu.dma_semaphore, #tpu.memory_space<semaphore_mem>>
        %dma_start3A_58 = arith.constant 0 : i32
        %dma_start3A_59 = tpu.memref_slice %arg8[%add3A_31, %dma_start3A_58] : memref<125x80xi32, #tpu.memory_space<vmem>> -> memref<1x80xi32, #tpu.memory_space<vmem>>
        %dma_start3A_60 = tpu.memref_squeeze %dma_start3A_59 : memref<1x80xi32, #tpu.memory_space<vmem>> -> memref<80xi32, #tpu.memory_space<vmem>>
        %dma_start3A_61 = arith.constant 0 : i32
        %dma_start3A_62 = arith.constant 0 : i32
        %dma_start3A_63 = tpu.memref_slice %arg11[%dma_start3A_61, %dma_start3A_62] : memref<10112x128xf32, #tpu.memory_space<vmem_shared>> -> memref<10112x128xf32, #tpu.memory_space<vmem_shared>>
        tpu.enqueue_indirect_dma source(%arg10 : memref<80x128xf32, #tpu.memory_space<vmem>>) target(%dma_start3A_63 : memref<10112x128xf32, #tpu.memory_space<vmem_shared>>) offsets(%dma_start3A_60 : memref<80xi32, #tpu.memory_space<vmem>>) semaphore(%run_scoped3A_57 : memref<!tpu.dma_semaphore, #tpu.memory_space<semaphore_mem>>) {add = true}
        %dma_wait3A_64 = arith.constant 0 : i32
        %dma_wait3A_65 = tpu.memref_slice %arg8[%add3A_31, %dma_wait3A_64] : memref<125x80xi32, #tpu.memory_space<vmem>> -> memref<1x80xi32, #tpu.memory_space<vmem>>
        %dma_wait3A_66 = tpu.memref_squeeze %dma_wait3A_65 : memref<1x80xi32, #tpu.memory_space<vmem>> -> memref<80xi32, #tpu.memory_space<vmem>>
        %dma_wait3A_67 = arith.constant 0 : i32
        %dma_wait3A_68 = arith.constant 0 : i32
        %dma_wait3A_69 = tpu.memref_slice %arg11[%dma_wait3A_67, %dma_wait3A_68] : memref<10112x128xf32, #tpu.memory_space<vmem_shared>> -> memref<10112x128xf32, #tpu.memory_space<vmem_shared>>
        tpu.wait_indirect_dma semaphore(%run_scoped3A_57 : memref<!tpu.dma_semaphore, #tpu.memory_space<semaphore_mem>>) src(%arg10 : memref<80x128xf32, #tpu.memory_space<vmem>>) dst(%dma_wait3A_69 : memref<10112x128xf32, #tpu.memory_space<vmem_shared>>)
        tpu.yield
      }) : () -> ()
    }
    %scan3A_20 = arith.constant 62 : i32
    %dma_wait3A_21 = arith.constant 0 : i32
    %dma_wait3A_22 = tpu.memref_slice %arg7[%dma_wait3A_21] : memref<10000xi32, #tpu.memory_space<vmem>> -> memref<80xi32, #tpu.memory_space<vmem>>
    %dma_wait3A_23 = arith.constant 0 : i32
    %dma_wait3A_24 = arith.constant 0 : i32
    %dma_wait3A_25 = tpu.memref_slice %arg2[%dma_wait3A_23, %dma_wait3A_24] : memref<10112x128xf32, #tpu.memory_space<hbm>> -> memref<10112x128xf32, #tpu.memory_space<hbm>>
    tpu.wait_indirect_dma semaphore(%arg12 : memref<!tpu.dma_semaphore, #tpu.memory_space<semaphore_mem>>) src(%dma_wait3A_25 : memref<10112x128xf32, #tpu.memory_space<hbm>>) dst(%arg9 : memref<80x128xf32, #tpu.memory_space<vmem>>)
    %run_scoped3A = arith.constant 124 : i32
    "tpu.region"() ({
      %run_scoped3A_27 = tpu.sem_alloc : memref<!tpu.dma_semaphore, #tpu.memory_space<semaphore_mem>>
      %dma_start3A_28 = arith.constant 0 : i32
      %dma_start3A_29 = tpu.memref_slice %arg8[%run_scoped3A, %dma_start3A_28] : memref<125x80xi32, #tpu.memory_space<vmem>> -> memref<1x80xi32, #tpu.memory_space<vmem>>
      %dma_start3A_30 = tpu.memref_squeeze %dma_start3A_29 : memref<1x80xi32, #tpu.memory_space<vmem>> -> memref<80xi32, #tpu.memory_space<vmem>>
      %dma_start3A_31 = arith.constant 0 : i32
      %dma_start3A_32 = arith.constant 0 : i32
      %dma_start3A_33 = tpu.memref_slice %arg11[%dma_start3A_31, %dma_start3A_32] : memref<10112x128xf32, #tpu.memory_space<vmem_shared>> -> memref<10112x128xf32, #tpu.memory_space<vmem_shared>>
      tpu.enqueue_indirect_dma source(%arg9 : memref<80x128xf32, #tpu.memory_space<vmem>>) target(%dma_start3A_33 : memref<10112x128xf32, #tpu.memory_space<vmem_shared>>) offsets(%dma_start3A_30 : memref<80xi32, #tpu.memory_space<vmem>>) semaphore(%run_scoped3A_27 : memref<!tpu.dma_semaphore, #tpu.memory_space<semaphore_mem>>) {add = true}
      %dma_wait3A_34 = arith.constant 0 : i32
      %dma_wait3A_35 = tpu.memref_slice %arg8[%run_scoped3A, %dma_wait3A_34] : memref<125x80xi32, #tpu.memory_space<vmem>> -> memref<1x80xi32, #tpu.memory_space<vmem>>
      %dma_wait3A_36 = tpu.memref_squeeze %dma_wait3A_35 : memref<1x80xi32, #tpu.memory_space<vmem>> -> memref<80xi32, #tpu.memory_space<vmem>>
      %dma_wait3A_37 = arith.constant 0 : i32
      %dma_wait3A_38 = arith.constant 0 : i32
      %dma_wait3A_39 = tpu.memref_slice %arg11[%dma_wait3A_37, %dma_wait3A_38] : memref<10112x128xf32, #tpu.memory_space<vmem_shared>> -> memref<10112x128xf32, #tpu.memory_space<vmem_shared>>
      tpu.wait_indirect_dma semaphore(%run_scoped3A_27 : memref<!tpu.dma_semaphore, #tpu.memory_space<semaphore_mem>>) src(%arg9 : memref<80x128xf32, #tpu.memory_space<vmem>>) dst(%dma_wait3A_39 : memref<10112x128xf32, #tpu.memory_space<vmem_shared>>)
      tpu.yield
    }) : () -> ()
    %barrier3A_26 = arith.constant 0 : index
    tpu.barrier barrier_id(%barrier3A_26)
    "tpu.region"() ({
      %run_scoped3A_27 = tpu.sem_alloc : memref<!tpu.dma_semaphore, #tpu.memory_space<semaphore_mem>>
      %dma_start3A_28 = arith.constant 0 : i32
      %dma_start3A_29 = tpu.memref_slice %arg6[%arg0, %mul3A_2, %dma_start3A_28] : memref<2x10112x128xf32, #tpu.memory_space<hbm>> -> memref<1x632x128xf32, #tpu.memory_space<hbm>>
      %dma_start3A_30 = tpu.memref_squeeze %dma_start3A_29 : memref<1x632x128xf32, #tpu.memory_space<hbm>> -> memref<632x128xf32, #tpu.memory_space<hbm>>
      %dma_start3A_31 = arith.constant 0 : i32
      %dma_start3A_32 = tpu.memref_slice %arg11[%mul3A_2, %dma_start3A_31] : memref<10112x128xf32, #tpu.memory_space<vmem_shared>> -> memref<632x128xf32, #tpu.memory_space<vmem_shared>>
      tpu.enqueue_dma source(%dma_start3A_32 : memref<632x128xf32, #tpu.memory_space<vmem_shared>>) target(%dma_start3A_30 : memref<632x128xf32, #tpu.memory_space<hbm>>) target_semaphore(%run_scoped3A_27 : memref<!tpu.dma_semaphore, #tpu.memory_space<semaphore_mem>>)
      %dma_wait3A_33 = arith.constant 0 : i32
      %dma_wait3A_34 = tpu.memref_slice %arg6[%arg0, %mul3A_2, %dma_wait3A_33] : memref<2x10112x128xf32, #tpu.memory_space<hbm>> -> memref<1x632x128xf32, #tpu.memory_space<hbm>>
      %dma_wait3A_35 = tpu.memref_squeeze %dma_wait3A_34 : memref<1x632x128xf32, #tpu.memory_space<hbm>> -> memref<632x128xf32, #tpu.memory_space<hbm>>
      %dma_wait3A_36 = arith.constant 0 : i32
      %dma_wait3A_37 = tpu.memref_slice %arg11[%mul3A_2, %dma_wait3A_36] : memref<10112x128xf32, #tpu.memory_space<vmem_shared>> -> memref<632x128xf32, #tpu.memory_space<vmem_shared>>
      tpu.wait_dma2 semaphore(%run_scoped3A_27 : memref<!tpu.dma_semaphore, #tpu.memory_space<semaphore_mem>>) src(%dma_wait3A_37 : memref<632x128xf32, #tpu.memory_space<vmem_shared>>) dst(%dma_wait3A_35 : memref<632x128xf32, #tpu.memory_space<hbm>>)
      tpu.yield
    }) : () -> ()
    return
  }
}

#map = affine_map<(d0, d1) -> (0, 0)>
#map1 = affine_map<(d0, d1) -> (0)>
#map2 = affine_map<(d0, d1) -> (0, 0, 0)>
module attributes {stable_mosaic.version = 14 : i64} {
  func.func @k(%arg0: i32, %arg1: i32, %arg2: memref<10112x128xf32, #tpu.memory_space<hbm>>, %arg3: memref<320000xi32, #tpu.memory_space<hbm>>, %arg4: memref<32x125x80xi32, #tpu.memory_space<hbm>>, %arg5: memref<10112x128xf32, #tpu.memory_space<hbm>>, %arg6: memref<2x10112x128xf32, #tpu.memory_space<hbm>>, %arg7: memref<10000xi32, #tpu.memory_space<vmem>>, %arg8: memref<125x80xi32, #tpu.memory_space<vmem>>, %arg9: memref<80x128xf32, #tpu.memory_space<vmem>>, %arg10: memref<80x128xf32, #tpu.memory_space<vmem>>, %arg11: memref<10112x128xf32, #tpu.memory_space<vmem_shared>>, %arg12: memref<!tpu.dma_semaphore, #tpu.memory_space<semaphore_mem>>, %arg13: memref<!tpu.dma_semaphore, #tpu.memory_space<semaphore_mem>>, %arg14: memref<!tpu.dma_semaphore, #tpu.memory_space<semaphore_mem>>) attributes {dimension_semantics = [#tpu.dimension_semantics<core_parallel>, #tpu.dimension_semantics<subcore_parallel>], iteration_bounds = array<i64: 2, 16>, scalar_prefetch = 0 : i64, scratch_operands = 8 : i64, tpu.core_type = #tpu.core_type<sc_vector_subcore>, window_params = [{transform_indices = #map}, {transform_indices = #map1}, {transform_indices = #map2}, {transform_indices = #map}, {transform_indices = #map2}]} {
    %mul3A = arith.constant 16 : i32
    %mul3A_0 = arith.muli %arg0, %mul3A : i32
    %add3A = arith.addi %mul3A_0, %arg1 : i32
    %mul3A_1 = arith.constant 632 : i32
    %mul3A_2 = arith.muli %arg1, %mul3A_1 : i32
    %dma_start3A = arith.constant 0 : i32
    %dma_start3A_3 = tpu.memref_slice %arg11[%mul3A_2, %dma_start3A] : memref<10112x128xf32, #tpu.memory_space<vmem_shared>> -> memref<632x128xf32, #tpu.memory_space<vmem_shared>>
    %dma_start3A_4 = arith.constant 0 : i32
    %dma_start3A_5 = tpu.memref_slice %arg5[%mul3A_2, %dma_start3A_4] : memref<10112x128xf32, #tpu.memory_space<hbm>> -> memref<632x128xf32, #tpu.memory_space<hbm>>
    tpu.enqueue_dma source(%dma_start3A_5 : memref<632x128xf32, #tpu.memory_space<hbm>>) target(%dma_start3A_3 : memref<632x128xf32, #tpu.memory_space<vmem_shared>>) target_semaphore(%arg14 : memref<!tpu.dma_semaphore, #tpu.memory_space<semaphore_mem>>)
    %mul3A_6 = arith.constant 10000 : i32
    %mul3A_7 = arith.muli %add3A, %mul3A_6 : i32
    "tpu.region"() ({
      %run_scoped3A_27 = tpu.sem_alloc : memref<!tpu.dma_semaphore, #tpu.memory_space<semaphore_mem>>
      %dma_start3A_28 = tpu.memref_slice %arg3[%mul3A_7] : memref<320000xi32, #tpu.memory_space<hbm>> -> memref<10000xi32, #tpu.memory_space<hbm>>
      %dma_start3A_29 = tpu.memref_slice %arg3[%mul3A_7] : memref<320000xi32, #tpu.memory_space<hbm>> -> memref<10000xi32, #tpu.memory_space<hbm>>
      tpu.enqueue_dma source(%dma_start3A_29 : memref<10000xi32, #tpu.memory_space<hbm>>) target(%arg7 : memref<10000xi32, #tpu.memory_space<vmem>>) target_semaphore(%run_scoped3A_27 : memref<!tpu.dma_semaphore, #tpu.memory_space<semaphore_mem>>)
      %dma_wait3A_30 = tpu.memref_slice %arg3[%mul3A_7] : memref<320000xi32, #tpu.memory_space<hbm>> -> memref<10000xi32, #tpu.memory_space<hbm>>
      %dma_wait3A_31 = tpu.memref_slice %arg3[%mul3A_7] : memref<320000xi32, #tpu.memory_space<hbm>> -> memref<10000xi32, #tpu.memory_space<hbm>>
      tpu.wait_dma2 semaphore(%run_scoped3A_27 : memref<!tpu.dma_semaphore, #tpu.memory_space<semaphore_mem>>) src(%dma_wait3A_31 : memref<10000xi32, #tpu.memory_space<hbm>>) dst(%arg7 : memref<10000xi32, #tpu.memory_space<vmem>>)
      tpu.yield
    }) : () -> ()
    "tpu.region"() ({
      %run_scoped3A_27 = tpu.sem_alloc : memref<!tpu.dma_semaphore, #tpu.memory_space<semaphore_mem>>
      %dma_start3A_28 = arith.constant 0 : i32
      %dma_start3A_29 = arith.constant 0 : i32
      %dma_start3A_30 = tpu.memref_slice %arg4[%add3A, %dma_start3A_28, %dma_start3A_29] : memref<32x125x80xi32, #tpu.memory_space<hbm>> -> memref<1x125x80xi32, #tpu.memory_space<hbm>>
      %dma_start3A_31 = tpu.memref_squeeze %dma_start3A_30 : memref<1x125x80xi32, #tpu.memory_space<hbm>> -> memref<125x80xi32, #tpu.memory_space<hbm>>
      %dma_start3A_32 = arith.constant 0 : i32
      %dma_start3A_33 = arith.constant 0 : i32
      %dma_start3A_34 = tpu.memref_slice %arg4[%add3A, %dma_start3A_32, %dma_start3A_33] : memref<32x125x80xi32, #tpu.memory_space<hbm>> -> memref<1x125x80xi32, #tpu.memory_space<hbm>>
      %dma_start3A_35 = tpu.memref_squeeze %dma_start3A_34 : memref<1x125x80xi32, #tpu.memory_space<hbm>> -> memref<125x80xi32, #tpu.memory_space<hbm>>
      tpu.enqueue_dma source(%dma_start3A_35 : memref<125x80xi32, #tpu.memory_space<hbm>>) target(%arg8 : memref<125x80xi32, #tpu.memory_space<vmem>>) target_semaphore(%run_scoped3A_27 : memref<!tpu.dma_semaphore, #tpu.memory_space<semaphore_mem>>)
      %dma_wait3A_36 = arith.constant 0 : i32
      %dma_wait3A_37 = arith.constant 0 : i32
      %dma_wait3A_38 = tpu.memref_slice %arg4[%add3A, %dma_wait3A_36, %dma_wait3A_37] : memref<32x125x80xi32, #tpu.memory_space<hbm>> -> memref<1x125x80xi32, #tpu.memory_space<hbm>>
      %dma_wait3A_39 = tpu.memref_squeeze %dma_wait3A_38 : memref<1x125x80xi32, #tpu.memory_space<hbm>> -> memref<125x80xi32, #tpu.memory_space<hbm>>
      %dma_wait3A_40 = arith.constant 0 : i32
      %dma_wait3A_41 = arith.constant 0 : i32
      %dma_wait3A_42 = tpu.memref_slice %arg4[%add3A, %dma_wait3A_40, %dma_wait3A_41] : memref<32x125x80xi32, #tpu.memory_space<hbm>> -> memref<1x125x80xi32, #tpu.memory_space<hbm>>
      %dma_wait3A_43 = tpu.memref_squeeze %dma_wait3A_42 : memref<1x125x80xi32, #tpu.memory_space<hbm>> -> memref<125x80xi32, #tpu.memory_space<hbm>>
      tpu.wait_dma2 semaphore(%run_scoped3A_27 : memref<!tpu.dma_semaphore, #tpu.memory_space<semaphore_mem>>) src(%dma_wait3A_43 : memref<125x80xi32, #tpu.memory_space<hbm>>) dst(%arg8 : memref<125x80xi32, #tpu.memory_space<vmem>>)
      tpu.yield
    }) : () -> ()
    %dma_start3A_8 = arith.constant 0 : i32
    %dma_start3A_9 = tpu.memref_slice %arg7[%dma_start3A_8] : memref<10000xi32, #tpu.memory_space<vmem>> -> memref<80xi32, #tpu.memory_space<vmem>>
    %dma_start3A_10 = arith.constant 0 : i32
    %dma_start3A_11 = arith.constant 0 : i32
    %dma_start3A_12 = tpu.memref_slice %arg2[%dma_start3A_10, %dma_start3A_11] : memref<10112x128xf32, #tpu.memory_space<hbm>> -> memref<10112x128xf32, #tpu.memory_space<hbm>>
    tpu.enqueue_indirect_dma source(%dma_start3A_12 : memref<10112x128xf32, #tpu.memory_space<hbm>>) target(%arg9 : memref<80x128xf32, #tpu.memory_space<vmem>>) offsets(%dma_start3A_9 : memref<80xi32, #tpu.memory_space<vmem>>) semaphore(%arg12 : memref<!tpu.dma_semaphore, #tpu.memory_space<semaphore_mem>>)
    %dma_wait3A = arith.constant 0 : i32
    %dma_wait3A_13 = tpu.memref_slice %arg11[%mul3A_2, %dma_wait3A] : memref<10112x128xf32, #tpu.memory_space<vmem_shared>> -> memref<632x128xf32, #tpu.memory_space<vmem_shared>>
    %dma_wait3A_14 = arith.constant 0 : i32
    %dma_wait3A_15 = tpu.memref_slice %arg5[%mul3A_2, %dma_wait3A_14] : memref<10112x128xf32, #tpu.memory_space<hbm>> -> memref<632x128xf32, #tpu.memory_space<hbm>>
    tpu.wait_dma2 semaphore(%arg14 : memref<!tpu.dma_semaphore, #tpu.memory_space<semaphore_mem>>) src(%dma_wait3A_15 : memref<632x128xf32, #tpu.memory_space<hbm>>) dst(%dma_wait3A_13 : memref<632x128xf32, #tpu.memory_space<vmem_shared>>)
    %barrier3A = arith.constant 0 : index
    tpu.barrier barrier_id(%barrier3A)
    %scan3A = arith.constant 0 : i32
    %scan3A_16 = arith.constant 0 : i32
    %scan3A_17 = arith.constant 62 : i32
    %scan3A_18 = arith.addi %scan3A_16, %scan3A_17 : i32
    %scan3A_19 = arith.constant 1 : i32
    scf.for %scan3A_27 = %scan3A_16 to %scan3A_18 step %scan3A_19  : i32 {
      %mul3A_28 = arith.constant 2 : i32
      %mul3A_29 = arith.muli %mul3A_28, %scan3A_27 : i32
      %add3A_30 = arith.constant 1 : i32
      %add3A_31 = arith.addi %add3A_30, %mul3A_29 : i32
      %mul3A_32 = arith.constant 80 : i32
      %mul3A_33 = arith.muli %add3A_31, %mul3A_32 : i32
      %dma_start3A_34 = tpu.memref_slice %arg7[%mul3A_33] : memref<10000xi32, #tpu.memory_space<vmem>> -> memref<80xi32, #tpu.memory_space<vmem>>
      %dma_start3A_35 = arith.constant 0 : i32
      %dma_start3A_36 = arith.constant 0 : i32
      %dma_start3A_37 = tpu.memref_slice %arg2[%dma_start3A_35, %dma_start3A_36] : memref<10112x128xf32, #tpu.memory_space<hbm>> -> memref<10112x128xf32, #tpu.memory_space<hbm>>
      tpu.enqueue_indirect_dma source(%dma_start3A_37 : memref<10112x128xf32, #tpu.memory_space<hbm>>) target(%arg10 : memref<80x128xf32, #tpu.memory_space<vmem>>) offsets(%dma_start3A_34 : memref<80xi32, #tpu.memory_space<vmem>>) semaphore(%arg13 : memref<!tpu.dma_semaphore, #tpu.memory_space<semaphore_mem>>)
      %dma_wait3A_38 = arith.constant 0 : i32
      %dma_wait3A_39 = tpu.memref_slice %arg7[%dma_wait3A_38] : memref<10000xi32, #tpu.memory_space<vmem>> -> memref<80xi32, #tpu.memory_space<vmem>>
      %dma_wait3A_40 = arith.constant 0 : i32
      %dma_wait3A_41 = arith.constant 0 : i32
      %dma_wait3A_42 = tpu.memref_slice %arg2[%dma_wait3A_40, %dma_wait3A_41] : memref<10112x128xf32, #tpu.memory_space<hbm>> -> memref<10112x128xf32, #tpu.memory_space<hbm>>
      tpu.wait_indirect_dma semaphore(%arg12 : memref<!tpu.dma_semaphore, #tpu.memory_space<semaphore_mem>>) src(%dma_wait3A_42 : memref<10112x128xf32, #tpu.memory_space<hbm>>) dst(%arg9 : memref<80x128xf32, #tpu.memory_space<vmem>>)
      %sub3A = arith.constant 1 : i32
      %sub3A_43 = arith.subi %add3A_31, %sub3A : i32
      "tpu.region"() ({
        %run_scoped3A_57 = tpu.sem_alloc : memref<!tpu.dma_semaphore, #tpu.memory_space<semaphore_mem>>
        %dma_start3A_58 = arith.constant 0 : i32
        %dma_start3A_59 = tpu.memref_slice %arg8[%sub3A_43, %dma_start3A_58] : memref<125x80xi32, #tpu.memory_space<vmem>> -> memref<1x80xi32, #tpu.memory_space<vmem>>
        %dma_start3A_60 = tpu.memref_squeeze %dma_start3A_59 : memref<1x80xi32, #tpu.memory_space<vmem>> -> memref<80xi32, #tpu.memory_space<vmem>>
        %dma_start3A_61 = arith.constant 0 : i32
        %dma_start3A_62 = arith.constant 0 : i32
        %dma_start3A_63 = tpu.memref_slice %arg11[%dma_start3A_61, %dma_start3A_62] : memref<10112x128xf32, #tpu.memory_space<vmem_shared>> -> memref<10112x128xf32, #tpu.memory_space<vmem_shared>>
        tpu.enqueue_indirect_dma source(%arg9 : memref<80x128xf32, #tpu.memory_space<vmem>>) target(%dma_start3A_63 : memref<10112x128xf32, #tpu.memory_space<vmem_shared>>) offsets(%dma_start3A_60 : memref<80xi32, #tpu.memory_space<vmem>>) semaphore(%run_scoped3A_57 : memref<!tpu.dma_semaphore, #tpu.memory_space<semaphore_mem>>) {add = true}
        %dma_wait3A_64 = arith.constant 0 : i32
        %dma_wait3A_65 = tpu.memref_slice %arg8[%sub3A_43, %dma_wait3A_64] : memref<125x80xi32, #tpu.memory_space<vmem>> -> memref<1x80xi32, #tpu.memory_space<vmem>>
        %dma_wait3A_66 = tpu.memref_squeeze %dma_wait3A_65 : memref<1x80xi32, #tpu.memory_space<vmem>> -> memref<80xi32, #tpu.memory_space<vmem>>
        %dma_wait3A_67 = arith.constant 0 : i32
        %dma_wait3A_68 = arith.constant 0 : i32
        %dma_wait3A_69 = tpu.memref_slice %arg11[%dma_wait3A_67, %dma_wait3A_68] : memref<10112x128xf32, #tpu.memory_space<vmem_shared>> -> memref<10112x128xf32, #tpu.memory_space<vmem_shared>>
        tpu.wait_indirect_dma semaphore(%run_scoped3A_57 : memref<!tpu.dma_semaphore, #tpu.memory_space<semaphore_mem>>) src(%arg9 : memref<80x128xf32, #tpu.memory_space<vmem>>) dst(%dma_wait3A_69 : memref<10112x128xf32, #tpu.memory_space<vmem_shared>>)
        tpu.yield
      }) : () -> ()
      %add3A_44 = arith.constant 1 : i32
      %add3A_45 = arith.addi %add3A_31, %add3A_44 : i32
      %mul3A_46 = arith.constant 80 : i32
      %mul3A_47 = arith.muli %add3A_45, %mul3A_46 : i32
      %dma_start3A_48 = tpu.memref_slice %arg7[%mul3A_47] : memref<10000xi32, #tpu.memory_space<vmem>> -> memref<80xi32, #tpu.memory_space<vmem>>
      %dma_start3A_49 = arith.constant 0 : i32
      %dma_start3A_50 = arith.constant 0 : i32
      %dma_start3A_51 = tpu.memref_slice %arg2[%dma_start3A_49, %dma_start3A_50] : memref<10112x128xf32, #tpu.memory_space<hbm>> -> memref<10112x128xf32, #tpu.memory_space<hbm>>
      tpu.enqueue_indirect_dma source(%dma_start3A_51 : memref<10112x128xf32, #tpu.memory_space<hbm>>) target(%arg9 : memref<80x128xf32, #tpu.memory_space<vmem>>) offsets(%dma_start3A_48 : memref<80xi32, #tpu.memory_space<vmem>>) semaphore(%arg12 : memref<!tpu.dma_semaphore, #tpu.memory_space<semaphore_mem>>)
      %dma_wait3A_52 = arith.constant 0 : i32
      %dma_wait3A_53 = tpu.memref_slice %arg7[%dma_wait3A_52] : memref<10000xi32, #tpu.memory_space<vmem>> -> memref<80xi32, #tpu.memory_space<vmem>>
      %dma_wait3A_54 = arith.constant 0 : i32
      %dma_wait3A_55 = arith.constant 0 : i32
      %dma_wait3A_56 = tpu.memref_slice %arg2[%dma_wait3A_54, %dma_wait3A_55] : memref<10112x128xf32, #tpu.memory_space<hbm>> -> memref<10112x128xf32, #tpu.memory_space<hbm>>
      tpu.wait_indirect_dma semaphore(%arg13 : memref<!tpu.dma_semaphore, #tpu.memory_space<semaphore_mem>>) src(%dma_wait3A_56 : memref<10112x128xf32, #tpu.memory_space<hbm>>) dst(%arg10 : memref<80x128xf32, #tpu.memory_space<vmem>>)
      "tpu.region"() ({
        %run_scoped3A_57 = tpu.sem_alloc : memref<!tpu.dma_semaphore, #tpu.memory_space<semaphore_mem>>
        %dma_start3A_58 = arith.constant 0 : i32
        %dma_start3A_59 = tpu.memref_slice %arg8[%add3A_31, %dma_start3A_58] : memref<125x80xi32, #tpu.memory_space<vmem>> -> memref<1x80xi32, #tpu.memory_space<vmem>>
        %dma_start3A_60 = tpu.memref_squeeze %dma_start3A_59 : memref<1x80xi32, #tpu.memory_space<vmem>> -> memref<80xi32, #tpu.memory_space<vmem>>
        %dma_start3A_61 = arith.constant 0 : i32
        %dma_start3A_62 = arith.constant 0 : i32
        %dma_start3A_63 = tpu.memref_slice %arg11[%dma_start3A_61, %dma_start3A_62] : memref<10112x128xf32, #tpu.memory_space<vmem_shared>> -> memref<10112x128xf32, #tpu.memory_space<vmem_shared>>
        tpu.enqueue_indirect_dma source(%arg10 : memref<80x128xf32, #tpu.memory_space<vmem>>) target(%dma_start3A_63 : memref<10112x128xf32, #tpu.memory_space<vmem_shared>>) offsets(%dma_start3A_60 : memref<80xi32, #tpu.memory_space<vmem>>) semaphore(%run_scoped3A_57 : memref<!tpu.dma_semaphore, #tpu.memory_space<semaphore_mem>>) {add = true}
        %dma_wait3A_64 = arith.constant 0 : i32
        %dma_wait3A_65 = tpu.memref_slice %arg8[%add3A_31, %dma_wait3A_64] : memref<125x80xi32, #tpu.memory_space<vmem>> -> memref<1x80xi32, #tpu.memory_space<vmem>>
        %dma_wait3A_66 = tpu.memref_squeeze %dma_wait3A_65 : memref<1x80xi32, #tpu.memory_space<vmem>> -> memref<80xi32, #tpu.memory_space<vmem>>
        %dma_wait3A_67 = arith.constant 0 : i32
        %dma_wait3A_68 = arith.constant 0 : i32
        %dma_wait3A_69 = tpu.memref_slice %arg11[%dma_wait3A_67, %dma_wait3A_68] : memref<10112x128xf32, #tpu.memory_space<vmem_shared>> -> memref<10112x128xf32, #tpu.memory_space<vmem_shared>>
        tpu.wait_indirect_dma semaphore(%run_scoped3A_57 : memref<!tpu.dma_semaphore, #tpu.memory_space<semaphore_mem>>) src(%arg10 : memref<80x128xf32, #tpu.memory_space<vmem>>) dst(%dma_wait3A_69 : memref<10112x128xf32, #tpu.memory_space<vmem_shared>>)
        tpu.yield
      }) : () -> ()
    }
    %scan3A_20 = arith.constant 62 : i32
    %dma_wait3A_21 = arith.constant 0 : i32
    %dma_wait3A_22 = tpu.memref_slice %arg7[%dma_wait3A_21] : memref<10000xi32, #tpu.memory_space<vmem>> -> memref<80xi32, #tpu.memory_space<vmem>>
    %dma_wait3A_23 = arith.constant 0 : i32
    %dma_wait3A_24 = arith.constant 0 : i32
    %dma_wait3A_25 = tpu.memref_slice %arg2[%dma_wait3A_23, %dma_wait3A_24] : memref<10112x128xf32, #tpu.memory_space<hbm>> -> memref<10112x128xf32, #tpu.memory_space<hbm>>
    tpu.wait_indirect_dma semaphore(%arg12 : memref<!tpu.dma_semaphore, #tpu.memory_space<semaphore_mem>>) src(%dma_wait3A_25 : memref<10112x128xf32, #tpu.memory_space<hbm>>) dst(%arg9 : memref<80x128xf32, #tpu.memory_space<vmem>>)
    %run_scoped3A = arith.constant 124 : i32
    "tpu.region"() ({
      %run_scoped3A_27 = tpu.sem_alloc : memref<!tpu.dma_semaphore, #tpu.memory_space<semaphore_mem>>
      %dma_start3A_28 = arith.constant 0 : i32
      %dma_start3A_29 = tpu.memref_slice %arg8[%run_scoped3A, %dma_start3A_28] : memref<125x80xi32, #tpu.memory_space<vmem>> -> memref<1x80xi32, #tpu.memory_space<vmem>>
      %dma_start3A_30 = tpu.memref_squeeze %dma_start3A_29 : memref<1x80xi32, #tpu.memory_space<vmem>> -> memref<80xi32, #tpu.memory_space<vmem>>
      %dma_start3A_31 = arith.constant 0 : i32
      %dma_start3A_32 = arith.constant 0 : i32
      %dma_start3A_33 = tpu.memref_slice %arg11[%dma_start3A_31, %dma_start3A_32] : memref<10112x128xf32, #tpu.memory_space<vmem_shared>> -> memref<10112x128xf32, #tpu.memory_space<vmem_shared>>
      tpu.enqueue_indirect_dma source(%arg9 : memref<80x128xf32, #tpu.memory_space<vmem>>) target(%dma_start3A_33 : memref<10112x128xf32, #tpu.memory_space<vmem_shared>>) offsets(%dma_start3A_30 : memref<80xi32, #tpu.memory_space<vmem>>) semaphore(%run_scoped3A_27 : memref<!tpu.dma_semaphore, #tpu.memory_space<semaphore_mem>>) {add = true}
      %dma_wait3A_34 = arith.constant 0 : i32
      %dma_wait3A_35 = tpu.memref_slice %arg8[%run_scoped3A, %dma_wait3A_34] : memref<125x80xi32, #tpu.memory_space<vmem>> -> memref<1x80xi32, #tpu.memory_space<vmem>>
      %dma_wait3A_36 = tpu.memref_squeeze %dma_wait3A_35 : memref<1x80xi32, #tpu.memory_space<vmem>> -> memref<80xi32, #tpu.memory_space<vmem>>
      %dma_wait3A_37 = arith.constant 0 : i32
      %dma_wait3A_38 = arith.constant 0 : i32
      %dma_wait3A_39 = tpu.memref_slice %arg11[%dma_wait3A_37, %dma_wait3A_38] : memref<10112x128xf32, #tpu.memory_space<vmem_shared>> -> memref<10112x128xf32, #tpu.memory_space<vmem_shared>>
      tpu.wait_indirect_dma semaphore(%run_scoped3A_27 : memref<!tpu.dma_semaphore, #tpu.memory_space<semaphore_mem>>) src(%arg9 : memref<80x128xf32, #tpu.memory_space<vmem>>) dst(%dma_wait3A_39 : memref<10112x128xf32, #tpu.memory_space<vmem_shared>>)
      tpu.yield
    }) : () -> ()
    %barrier3A_26 = arith.constant 0 : index
    tpu.barrier barrier_id(%barrier3A_26)
    "tpu.region"() ({
      %run_scoped3A_27 = tpu.sem_alloc : memref<!tpu.dma_semaphore, #tpu.memory_space<semaphore_mem>>
      %dma_start3A_28 = arith.constant 0 : i32
      %dma_start3A_29 = tpu.memref_slice %arg6[%arg0, %mul3A_2, %dma_start3A_28] : memref<2x10112x128xf32, #tpu.memory_space<hbm>> -> memref<1x632x128xf32, #tpu.memory_space<hbm>>
      %dma_start3A_30 = tpu.memref_squeeze %dma_start3A_29 : memref<1x632x128xf32, #tpu.memory_space<hbm>> -> memref<632x128xf32, #tpu.memory_space<hbm>>
      %dma_start3A_31 = arith.constant 0 : i32
      %dma_start3A_32 = tpu.memref_slice %arg11[%mul3A_2, %dma_start3A_31] : memref<10112x128xf32, #tpu.memory_space<vmem_shared>> -> memref<632x128xf32, #tpu.memory_space<vmem_shared>>
      tpu.enqueue_dma source(%dma_start3A_32 : memref<632x128xf32, #tpu.memory_space<vmem_shared>>) target(%dma_start3A_30 : memref<632x128xf32, #tpu.memory_space<hbm>>) target_semaphore(%run_scoped3A_27 : memref<!tpu.dma_semaphore, #tpu.memory_space<semaphore_mem>>)
      %dma_wait3A_33 = arith.constant 0 : i32
      %dma_wait3A_34 = tpu.memref_slice %arg6[%arg0, %mul3A_2, %dma_wait3A_33] : memref<2x10112x128xf32, #tpu.memory_space<hbm>> -> memref<1x632x128xf32, #tpu.memory_space<hbm>>
      %dma_wait3A_35 = tpu.memref_squeeze %dma_wait3A_34 : memref<1x632x128xf32, #tpu.memory_space<hbm>> -> memref<632x128xf32, #tpu.memory_space<hbm>>
      %dma_wait3A_36 = arith.constant 0 : i32
      %dma_wait3A_37 = tpu.memref_slice %arg11[%mul3A_2, %dma_wait3A_36] : memref<10112x128xf32, #tpu.memory_space<vmem_shared>> -> memref<632x128xf32, #tpu.memory_space<vmem_shared>>
      tpu.wait_dma2 semaphore(%run_scoped3A_27 : memref<!tpu.dma_semaphore, #tpu.memory_space<semaphore_mem>>) src(%dma_wait3A_37 : memref<632x128xf32, #tpu.memory_space<vmem_shared>>) dst(%dma_wait3A_35 : memref<632x128xf32, #tpu.memory_space<hbm>>)
      tpu.yield
    }) : () -> ()
    return
  }
}

#map = affine_map<(d0, d1) -> (0, 0)>
#map1 = affine_map<(d0, d1) -> (0)>
#map2 = affine_map<(d0, d1) -> (0, 0, 0)>
module attributes {stable_mosaic.version = 14 : i64} {
  func.func @k(%arg0: i32, %arg1: i32, %arg2: memref<10112x128xf32, #tpu.memory_space<hbm>>, %arg3: memref<320000xi32, #tpu.memory_space<hbm>>, %arg4: memref<32x125x80xi32, #tpu.memory_space<hbm>>, %arg5: memref<10112x128xf32, #tpu.memory_space<hbm>>, %arg6: memref<2x10112x128xf32, #tpu.memory_space<hbm>>, %arg7: memref<10000xi32, #tpu.memory_space<vmem>>, %arg8: memref<125x80xi32, #tpu.memory_space<vmem>>, %arg9: memref<80x128xf32, #tpu.memory_space<vmem>>, %arg10: memref<80x128xf32, #tpu.memory_space<vmem>>, %arg11: memref<10112x128xf32, #tpu.memory_space<vmem_shared>>, %arg12: memref<!tpu.dma_semaphore, #tpu.memory_space<semaphore_mem>>, %arg13: memref<!tpu.dma_semaphore, #tpu.memory_space<semaphore_mem>>, %arg14: memref<!tpu.dma_semaphore, #tpu.memory_space<semaphore_mem>>) attributes {dimension_semantics = [#tpu.dimension_semantics<core_parallel>, #tpu.dimension_semantics<subcore_parallel>], iteration_bounds = array<i64: 2, 16>, scalar_prefetch = 0 : i64, scratch_operands = 8 : i64, tpu.core_type = #tpu.core_type<sc_vector_subcore>, window_params = [{transform_indices = #map}, {transform_indices = #map1}, {transform_indices = #map2}, {transform_indices = #map}, {transform_indices = #map2}]} {
    %mul3A = arith.constant 16 : i32
    %mul3A_0 = arith.muli %arg0, %mul3A : i32
    %add3A = arith.addi %mul3A_0, %arg1 : i32
    %mul3A_1 = arith.constant 632 : i32
    %mul3A_2 = arith.muli %arg1, %mul3A_1 : i32
    %dma_start3A = arith.constant 0 : i32
    %dma_start3A_3 = tpu.memref_slice %arg11[%mul3A_2, %dma_start3A] : memref<10112x128xf32, #tpu.memory_space<vmem_shared>> -> memref<632x128xf32, #tpu.memory_space<vmem_shared>>
    %dma_start3A_4 = arith.constant 0 : i32
    %dma_start3A_5 = tpu.memref_slice %arg5[%mul3A_2, %dma_start3A_4] : memref<10112x128xf32, #tpu.memory_space<hbm>> -> memref<632x128xf32, #tpu.memory_space<hbm>>
    tpu.enqueue_dma source(%dma_start3A_5 : memref<632x128xf32, #tpu.memory_space<hbm>>) target(%dma_start3A_3 : memref<632x128xf32, #tpu.memory_space<vmem_shared>>) target_semaphore(%arg14 : memref<!tpu.dma_semaphore, #tpu.memory_space<semaphore_mem>>)
    %mul3A_6 = arith.constant 10000 : i32
    %mul3A_7 = arith.muli %add3A, %mul3A_6 : i32
    "tpu.region"() ({
      %run_scoped3A_27 = tpu.sem_alloc : memref<!tpu.dma_semaphore, #tpu.memory_space<semaphore_mem>>
      %dma_start3A_28 = tpu.memref_slice %arg3[%mul3A_7] : memref<320000xi32, #tpu.memory_space<hbm>> -> memref<10000xi32, #tpu.memory_space<hbm>>
      %dma_start3A_29 = tpu.memref_slice %arg3[%mul3A_7] : memref<320000xi32, #tpu.memory_space<hbm>> -> memref<10000xi32, #tpu.memory_space<hbm>>
      tpu.enqueue_dma source(%dma_start3A_29 : memref<10000xi32, #tpu.memory_space<hbm>>) target(%arg7 : memref<10000xi32, #tpu.memory_space<vmem>>) target_semaphore(%run_scoped3A_27 : memref<!tpu.dma_semaphore, #tpu.memory_space<semaphore_mem>>)
      %dma_wait3A_30 = tpu.memref_slice %arg3[%mul3A_7] : memref<320000xi32, #tpu.memory_space<hbm>> -> memref<10000xi32, #tpu.memory_space<hbm>>
      %dma_wait3A_31 = tpu.memref_slice %arg3[%mul3A_7] : memref<320000xi32, #tpu.memory_space<hbm>> -> memref<10000xi32, #tpu.memory_space<hbm>>
      tpu.wait_dma2 semaphore(%run_scoped3A_27 : memref<!tpu.dma_semaphore, #tpu.memory_space<semaphore_mem>>) src(%dma_wait3A_31 : memref<10000xi32, #tpu.memory_space<hbm>>) dst(%arg7 : memref<10000xi32, #tpu.memory_space<vmem>>)
      tpu.yield
    }) : () -> ()
    "tpu.region"() ({
      %run_scoped3A_27 = tpu.sem_alloc : memref<!tpu.dma_semaphore, #tpu.memory_space<semaphore_mem>>
      %dma_start3A_28 = arith.constant 0 : i32
      %dma_start3A_29 = arith.constant 0 : i32
      %dma_start3A_30 = tpu.memref_slice %arg4[%add3A, %dma_start3A_28, %dma_start3A_29] : memref<32x125x80xi32, #tpu.memory_space<hbm>> -> memref<1x125x80xi32, #tpu.memory_space<hbm>>
      %dma_start3A_31 = tpu.memref_squeeze %dma_start3A_30 : memref<1x125x80xi32, #tpu.memory_space<hbm>> -> memref<125x80xi32, #tpu.memory_space<hbm>>
      %dma_start3A_32 = arith.constant 0 : i32
      %dma_start3A_33 = arith.constant 0 : i32
      %dma_start3A_34 = tpu.memref_slice %arg4[%add3A, %dma_start3A_32, %dma_start3A_33] : memref<32x125x80xi32, #tpu.memory_space<hbm>> -> memref<1x125x80xi32, #tpu.memory_space<hbm>>
      %dma_start3A_35 = tpu.memref_squeeze %dma_start3A_34 : memref<1x125x80xi32, #tpu.memory_space<hbm>> -> memref<125x80xi32, #tpu.memory_space<hbm>>
      tpu.enqueue_dma source(%dma_start3A_35 : memref<125x80xi32, #tpu.memory_space<hbm>>) target(%arg8 : memref<125x80xi32, #tpu.memory_space<vmem>>) target_semaphore(%run_scoped3A_27 : memref<!tpu.dma_semaphore, #tpu.memory_space<semaphore_mem>>)
      %dma_wait3A_36 = arith.constant 0 : i32
      %dma_wait3A_37 = arith.constant 0 : i32
      %dma_wait3A_38 = tpu.memref_slice %arg4[%add3A, %dma_wait3A_36, %dma_wait3A_37] : memref<32x125x80xi32, #tpu.memory_space<hbm>> -> memref<1x125x80xi32, #tpu.memory_space<hbm>>
      %dma_wait3A_39 = tpu.memref_squeeze %dma_wait3A_38 : memref<1x125x80xi32, #tpu.memory_space<hbm>> -> memref<125x80xi32, #tpu.memory_space<hbm>>
      %dma_wait3A_40 = arith.constant 0 : i32
      %dma_wait3A_41 = arith.constant 0 : i32
      %dma_wait3A_42 = tpu.memref_slice %arg4[%add3A, %dma_wait3A_40, %dma_wait3A_41] : memref<32x125x80xi32, #tpu.memory_space<hbm>> -> memref<1x125x80xi32, #tpu.memory_space<hbm>>
      %dma_wait3A_43 = tpu.memref_squeeze %dma_wait3A_42 : memref<1x125x80xi32, #tpu.memory_space<hbm>> -> memref<125x80xi32, #tpu.memory_space<hbm>>
      tpu.wait_dma2 semaphore(%run_scoped3A_27 : memref<!tpu.dma_semaphore, #tpu.memory_space<semaphore_mem>>) src(%dma_wait3A_43 : memref<125x80xi32, #tpu.memory_space<hbm>>) dst(%arg8 : memref<125x80xi32, #tpu.memory_space<vmem>>)
      tpu.yield
    }) : () -> ()
    %dma_start3A_8 = arith.constant 0 : i32
    %dma_start3A_9 = tpu.memref_slice %arg7[%dma_start3A_8] : memref<10000xi32, #tpu.memory_space<vmem>> -> memref<80xi32, #tpu.memory_space<vmem>>
    %dma_start3A_10 = arith.constant 0 : i32
    %dma_start3A_11 = arith.constant 0 : i32
    %dma_start3A_12 = tpu.memref_slice %arg2[%dma_start3A_10, %dma_start3A_11] : memref<10112x128xf32, #tpu.memory_space<hbm>> -> memref<10112x128xf32, #tpu.memory_space<hbm>>
    tpu.enqueue_indirect_dma source(%dma_start3A_12 : memref<10112x128xf32, #tpu.memory_space<hbm>>) target(%arg9 : memref<80x128xf32, #tpu.memory_space<vmem>>) offsets(%dma_start3A_9 : memref<80xi32, #tpu.memory_space<vmem>>) semaphore(%arg12 : memref<!tpu.dma_semaphore, #tpu.memory_space<semaphore_mem>>)
    %dma_wait3A = arith.constant 0 : i32
    %dma_wait3A_13 = tpu.memref_slice %arg11[%mul3A_2, %dma_wait3A] : memref<10112x128xf32, #tpu.memory_space<vmem_shared>> -> memref<632x128xf32, #tpu.memory_space<vmem_shared>>
    %dma_wait3A_14 = arith.constant 0 : i32
    %dma_wait3A_15 = tpu.memref_slice %arg5[%mul3A_2, %dma_wait3A_14] : memref<10112x128xf32, #tpu.memory_space<hbm>> -> memref<632x128xf32, #tpu.memory_space<hbm>>
    tpu.wait_dma2 semaphore(%arg14 : memref<!tpu.dma_semaphore, #tpu.memory_space<semaphore_mem>>) src(%dma_wait3A_15 : memref<632x128xf32, #tpu.memory_space<hbm>>) dst(%dma_wait3A_13 : memref<632x128xf32, #tpu.memory_space<vmem_shared>>)
    %barrier3A = arith.constant 0 : index
    tpu.barrier barrier_id(%barrier3A)
    %scan3A = arith.constant 0 : i32
    %scan3A_16 = arith.constant 0 : i32
    %scan3A_17 = arith.constant 62 : i32
    %scan3A_18 = arith.addi %scan3A_16, %scan3A_17 : i32
    %scan3A_19 = arith.constant 1 : i32
    scf.for %scan3A_27 = %scan3A_16 to %scan3A_18 step %scan3A_19  : i32 {
      %mul3A_28 = arith.constant 2 : i32
      %mul3A_29 = arith.muli %mul3A_28, %scan3A_27 : i32
      %add3A_30 = arith.constant 1 : i32
      %add3A_31 = arith.addi %add3A_30, %mul3A_29 : i32
      %mul3A_32 = arith.constant 80 : i32
      %mul3A_33 = arith.muli %add3A_31, %mul3A_32 : i32
      %dma_start3A_34 = tpu.memref_slice %arg7[%mul3A_33] : memref<10000xi32, #tpu.memory_space<vmem>> -> memref<80xi32, #tpu.memory_space<vmem>>
      %dma_start3A_35 = arith.constant 0 : i32
      %dma_start3A_36 = arith.constant 0 : i32
      %dma_start3A_37 = tpu.memref_slice %arg2[%dma_start3A_35, %dma_start3A_36] : memref<10112x128xf32, #tpu.memory_space<hbm>> -> memref<10112x128xf32, #tpu.memory_space<hbm>>
      tpu.enqueue_indirect_dma source(%dma_start3A_37 : memref<10112x128xf32, #tpu.memory_space<hbm>>) target(%arg10 : memref<80x128xf32, #tpu.memory_space<vmem>>) offsets(%dma_start3A_34 : memref<80xi32, #tpu.memory_space<vmem>>) semaphore(%arg13 : memref<!tpu.dma_semaphore, #tpu.memory_space<semaphore_mem>>)
      %dma_wait3A_38 = arith.constant 0 : i32
      %dma_wait3A_39 = tpu.memref_slice %arg7[%dma_wait3A_38] : memref<10000xi32, #tpu.memory_space<vmem>> -> memref<80xi32, #tpu.memory_space<vmem>>
      %dma_wait3A_40 = arith.constant 0 : i32
      %dma_wait3A_41 = arith.constant 0 : i32
      %dma_wait3A_42 = tpu.memref_slice %arg2[%dma_wait3A_40, %dma_wait3A_41] : memref<10112x128xf32, #tpu.memory_space<hbm>> -> memref<10112x128xf32, #tpu.memory_space<hbm>>
      tpu.wait_indirect_dma semaphore(%arg12 : memref<!tpu.dma_semaphore, #tpu.memory_space<semaphore_mem>>) src(%dma_wait3A_42 : memref<10112x128xf32, #tpu.memory_space<hbm>>) dst(%arg9 : memref<80x128xf32, #tpu.memory_space<vmem>>)
      %sub3A = arith.constant 1 : i32
      %sub3A_43 = arith.subi %add3A_31, %sub3A : i32
      "tpu.region"() ({
        %run_scoped3A_57 = tpu.sem_alloc : memref<!tpu.dma_semaphore, #tpu.memory_space<semaphore_mem>>
        %dma_start3A_58 = arith.constant 0 : i32
        %dma_start3A_59 = tpu.memref_slice %arg8[%sub3A_43, %dma_start3A_58] : memref<125x80xi32, #tpu.memory_space<vmem>> -> memref<1x80xi32, #tpu.memory_space<vmem>>
        %dma_start3A_60 = tpu.memref_squeeze %dma_start3A_59 : memref<1x80xi32, #tpu.memory_space<vmem>> -> memref<80xi32, #tpu.memory_space<vmem>>
        %dma_start3A_61 = arith.constant 0 : i32
        %dma_start3A_62 = arith.constant 0 : i32
        %dma_start3A_63 = tpu.memref_slice %arg11[%dma_start3A_61, %dma_start3A_62] : memref<10112x128xf32, #tpu.memory_space<vmem_shared>> -> memref<10112x128xf32, #tpu.memory_space<vmem_shared>>
        tpu.enqueue_indirect_dma source(%arg9 : memref<80x128xf32, #tpu.memory_space<vmem>>) target(%dma_start3A_63 : memref<10112x128xf32, #tpu.memory_space<vmem_shared>>) offsets(%dma_start3A_60 : memref<80xi32, #tpu.memory_space<vmem>>) semaphore(%run_scoped3A_57 : memref<!tpu.dma_semaphore, #tpu.memory_space<semaphore_mem>>) {add = true}
        %dma_wait3A_64 = arith.constant 0 : i32
        %dma_wait3A_65 = tpu.memref_slice %arg8[%sub3A_43, %dma_wait3A_64] : memref<125x80xi32, #tpu.memory_space<vmem>> -> memref<1x80xi32, #tpu.memory_space<vmem>>
        %dma_wait3A_66 = tpu.memref_squeeze %dma_wait3A_65 : memref<1x80xi32, #tpu.memory_space<vmem>> -> memref<80xi32, #tpu.memory_space<vmem>>
        %dma_wait3A_67 = arith.constant 0 : i32
        %dma_wait3A_68 = arith.constant 0 : i32
        %dma_wait3A_69 = tpu.memref_slice %arg11[%dma_wait3A_67, %dma_wait3A_68] : memref<10112x128xf32, #tpu.memory_space<vmem_shared>> -> memref<10112x128xf32, #tpu.memory_space<vmem_shared>>
        tpu.wait_indirect_dma semaphore(%run_scoped3A_57 : memref<!tpu.dma_semaphore, #tpu.memory_space<semaphore_mem>>) src(%arg9 : memref<80x128xf32, #tpu.memory_space<vmem>>) dst(%dma_wait3A_69 : memref<10112x128xf32, #tpu.memory_space<vmem_shared>>)
        tpu.yield
      }) : () -> ()
      %add3A_44 = arith.constant 1 : i32
      %add3A_45 = arith.addi %add3A_31, %add3A_44 : i32
      %mul3A_46 = arith.constant 80 : i32
      %mul3A_47 = arith.muli %add3A_45, %mul3A_46 : i32
      %dma_start3A_48 = tpu.memref_slice %arg7[%mul3A_47] : memref<10000xi32, #tpu.memory_space<vmem>> -> memref<80xi32, #tpu.memory_space<vmem>>
      %dma_start3A_49 = arith.constant 0 : i32
      %dma_start3A_50 = arith.constant 0 : i32
      %dma_start3A_51 = tpu.memref_slice %arg2[%dma_start3A_49, %dma_start3A_50] : memref<10112x128xf32, #tpu.memory_space<hbm>> -> memref<10112x128xf32, #tpu.memory_space<hbm>>
      tpu.enqueue_indirect_dma source(%dma_start3A_51 : memref<10112x128xf32, #tpu.memory_space<hbm>>) target(%arg9 : memref<80x128xf32, #tpu.memory_space<vmem>>) offsets(%dma_start3A_48 : memref<80xi32, #tpu.memory_space<vmem>>) semaphore(%arg12 : memref<!tpu.dma_semaphore, #tpu.memory_space<semaphore_mem>>)
      %dma_wait3A_52 = arith.constant 0 : i32
      %dma_wait3A_53 = tpu.memref_slice %arg7[%dma_wait3A_52] : memref<10000xi32, #tpu.memory_space<vmem>> -> memref<80xi32, #tpu.memory_space<vmem>>
      %dma_wait3A_54 = arith.constant 0 : i32
      %dma_wait3A_55 = arith.constant 0 : i32
      %dma_wait3A_56 = tpu.memref_slice %arg2[%dma_wait3A_54, %dma_wait3A_55] : memref<10112x128xf32, #tpu.memory_space<hbm>> -> memref<10112x128xf32, #tpu.memory_space<hbm>>
      tpu.wait_indirect_dma semaphore(%arg13 : memref<!tpu.dma_semaphore, #tpu.memory_space<semaphore_mem>>) src(%dma_wait3A_56 : memref<10112x128xf32, #tpu.memory_space<hbm>>) dst(%arg10 : memref<80x128xf32, #tpu.memory_space<vmem>>)
      "tpu.region"() ({
        %run_scoped3A_57 = tpu.sem_alloc : memref<!tpu.dma_semaphore, #tpu.memory_space<semaphore_mem>>
        %dma_start3A_58 = arith.constant 0 : i32
        %dma_start3A_59 = tpu.memref_slice %arg8[%add3A_31, %dma_start3A_58] : memref<125x80xi32, #tpu.memory_space<vmem>> -> memref<1x80xi32, #tpu.memory_space<vmem>>
        %dma_start3A_60 = tpu.memref_squeeze %dma_start3A_59 : memref<1x80xi32, #tpu.memory_space<vmem>> -> memref<80xi32, #tpu.memory_space<vmem>>
        %dma_start3A_61 = arith.constant 0 : i32
        %dma_start3A_62 = arith.constant 0 : i32
        %dma_start3A_63 = tpu.memref_slice %arg11[%dma_start3A_61, %dma_start3A_62] : memref<10112x128xf32, #tpu.memory_space<vmem_shared>> -> memref<10112x128xf32, #tpu.memory_space<vmem_shared>>
        tpu.enqueue_indirect_dma source(%arg10 : memref<80x128xf32, #tpu.memory_space<vmem>>) target(%dma_start3A_63 : memref<10112x128xf32, #tpu.memory_space<vmem_shared>>) offsets(%dma_start3A_60 : memref<80xi32, #tpu.memory_space<vmem>>) semaphore(%run_scoped3A_57 : memref<!tpu.dma_semaphore, #tpu.memory_space<semaphore_mem>>) {add = true}
        %dma_wait3A_64 = arith.constant 0 : i32
        %dma_wait3A_65 = tpu.memref_slice %arg8[%add3A_31, %dma_wait3A_64] : memref<125x80xi32, #tpu.memory_space<vmem>> -> memref<1x80xi32, #tpu.memory_space<vmem>>
        %dma_wait3A_66 = tpu.memref_squeeze %dma_wait3A_65 : memref<1x80xi32, #tpu.memory_space<vmem>> -> memref<80xi32, #tpu.memory_space<vmem>>
        %dma_wait3A_67 = arith.constant 0 : i32
        %dma_wait3A_68 = arith.constant 0 : i32
        %dma_wait3A_69 = tpu.memref_slice %arg11[%dma_wait3A_67, %dma_wait3A_68] : memref<10112x128xf32, #tpu.memory_space<vmem_shared>> -> memref<10112x128xf32, #tpu.memory_space<vmem_shared>>
        tpu.wait_indirect_dma semaphore(%run_scoped3A_57 : memref<!tpu.dma_semaphore, #tpu.memory_space<semaphore_mem>>) src(%arg10 : memref<80x128xf32, #tpu.memory_space<vmem>>) dst(%dma_wait3A_69 : memref<10112x128xf32, #tpu.memory_space<vmem_shared>>)
        tpu.yield
      }) : () -> ()
    }
    %scan3A_20 = arith.constant 62 : i32
    %dma_wait3A_21 = arith.constant 0 : i32
    %dma_wait3A_22 = tpu.memref_slice %arg7[%dma_wait3A_21] : memref<10000xi32, #tpu.memory_space<vmem>> -> memref<80xi32, #tpu.memory_space<vmem>>
    %dma_wait3A_23 = arith.constant 0 : i32
    %dma_wait3A_24 = arith.constant 0 : i32
    %dma_wait3A_25 = tpu.memref_slice %arg2[%dma_wait3A_23, %dma_wait3A_24] : memref<10112x128xf32, #tpu.memory_space<hbm>> -> memref<10112x128xf32, #tpu.memory_space<hbm>>
    tpu.wait_indirect_dma semaphore(%arg12 : memref<!tpu.dma_semaphore, #tpu.memory_space<semaphore_mem>>) src(%dma_wait3A_25 : memref<10112x128xf32, #tpu.memory_space<hbm>>) dst(%arg9 : memref<80x128xf32, #tpu.memory_space<vmem>>)
    %run_scoped3A = arith.constant 124 : i32
    "tpu.region"() ({
      %run_scoped3A_27 = tpu.sem_alloc : memref<!tpu.dma_semaphore, #tpu.memory_space<semaphore_mem>>
      %dma_start3A_28 = arith.constant 0 : i32
      %dma_start3A_29 = tpu.memref_slice %arg8[%run_scoped3A, %dma_start3A_28] : memref<125x80xi32, #tpu.memory_space<vmem>> -> memref<1x80xi32, #tpu.memory_space<vmem>>
      %dma_start3A_30 = tpu.memref_squeeze %dma_start3A_29 : memref<1x80xi32, #tpu.memory_space<vmem>> -> memref<80xi32, #tpu.memory_space<vmem>>
      %dma_start3A_31 = arith.constant 0 : i32
      %dma_start3A_32 = arith.constant 0 : i32
      %dma_start3A_33 = tpu.memref_slice %arg11[%dma_start3A_31, %dma_start3A_32] : memref<10112x128xf32, #tpu.memory_space<vmem_shared>> -> memref<10112x128xf32, #tpu.memory_space<vmem_shared>>
      tpu.enqueue_indirect_dma source(%arg9 : memref<80x128xf32, #tpu.memory_space<vmem>>) target(%dma_start3A_33 : memref<10112x128xf32, #tpu.memory_space<vmem_shared>>) offsets(%dma_start3A_30 : memref<80xi32, #tpu.memory_space<vmem>>) semaphore(%run_scoped3A_27 : memref<!tpu.dma_semaphore, #tpu.memory_space<semaphore_mem>>) {add = true}
      %dma_wait3A_34 = arith.constant 0 : i32
      %dma_wait3A_35 = tpu.memref_slice %arg8[%run_scoped3A, %dma_wait3A_34] : memref<125x80xi32, #tpu.memory_space<vmem>> -> memref<1x80xi32, #tpu.memory_space<vmem>>
      %dma_wait3A_36 = tpu.memref_squeeze %dma_wait3A_35 : memref<1x80xi32, #tpu.memory_space<vmem>> -> memref<80xi32, #tpu.memory_space<vmem>>
      %dma_wait3A_37 = arith.constant 0 : i32
      %dma_wait3A_38 = arith.constant 0 : i32
      %dma_wait3A_39 = tpu.memref_slice %arg11[%dma_wait3A_37, %dma_wait3A_38] : memref<10112x128xf32, #tpu.memory_space<vmem_shared>> -> memref<10112x128xf32, #tpu.memory_space<vmem_shared>>
      tpu.wait_indirect_dma semaphore(%run_scoped3A_27 : memref<!tpu.dma_semaphore, #tpu.memory_space<semaphore_mem>>) src(%arg9 : memref<80x128xf32, #tpu.memory_space<vmem>>) dst(%dma_wait3A_39 : memref<10112x128xf32, #tpu.memory_space<vmem_shared>>)
      tpu.yield
    }) : () -> ()
    %barrier3A_26 = arith.constant 0 : index
    tpu.barrier barrier_id(%barrier3A_26)
    "tpu.region"() ({
      %run_scoped3A_27 = tpu.sem_alloc : memref<!tpu.dma_semaphore, #tpu.memory_space<semaphore_mem>>
      %dma_start3A_28 = arith.constant 0 : i32
      %dma_start3A_29 = tpu.memref_slice %arg6[%arg0, %mul3A_2, %dma_start3A_28] : memref<2x10112x128xf32, #tpu.memory_space<hbm>> -> memref<1x632x128xf32, #tpu.memory_space<hbm>>
      %dma_start3A_30 = tpu.memref_squeeze %dma_start3A_29 : memref<1x632x128xf32, #tpu.memory_space<hbm>> -> memref<632x128xf32, #tpu.memory_space<hbm>>
      %dma_start3A_31 = arith.constant 0 : i32
      %dma_start3A_32 = tpu.memref_slice %arg11[%mul3A_2, %dma_start3A_31] : memref<10112x128xf32, #tpu.memory_space<vmem_shared>> -> memref<632x128xf32, #tpu.memory_space<vmem_shared>>
      tpu.enqueue_dma source(%dma_start3A_32 : memref<632x128xf32, #tpu.memory_space<vmem_shared>>) target(%dma_start3A_30 : memref<632x128xf32, #tpu.memory_space<hbm>>) target_semaphore(%run_scoped3A_27 : memref<!tpu.dma_semaphore, #tpu.memory_space<semaphore_mem>>)
      %dma_wait3A_33 = arith.constant 0 : i32
      %dma_wait3A_34 = tpu.memref_slice %arg6[%arg0, %mul3A_2, %dma_wait3A_33] : memref<2x10112x128xf32, #tpu.memory_space<hbm>> -> memref<1x632x128xf32, #tpu.memory_space<hbm>>
      %dma_wait3A_35 = tpu.memref_squeeze %dma_wait3A_34 : memref<1x632x128xf32, #tpu.memory_space<hbm>> -> memref<632x128xf32, #tpu.memory_space<hbm>>
      %dma_wait3A_36 = arith.constant 0 : i32
      %dma_wait3A_37 = tpu.memref_slice %arg11[%mul3A_2, %dma_wait3A_36] : memref<10112x128xf32, #tpu.memory_space<vmem_shared>> -> memref<632x128xf32, #tpu.memory_space<vmem_shared>>
      tpu.wait_dma2 semaphore(%run_scoped3A_27 : memref<!tpu.dma_semaphore, #tpu.memory_space<semaphore_mem>>) src(%dma_wait3A_37 : memref<632x128xf32, #tpu.memory_space<vmem_shared>>) dst(%dma_wait3A_35 : memref<632x128xf32, #tpu.memory_space<hbm>>)
      tpu.yield
    }) : () -> ()
    return
  }
}

module attributes {stable_mosaic.version = 14 : i64} {
  func.func @_transform_body(%arg0: memref<10000x128xf32, #tpu.memory_space<vmem>>, %arg1: memref<128x128xf32, #tpu.memory_space<vmem>>, %arg2: memref<1x128xf32, #tpu.memory_space<vmem>>, %arg3: memref<1x128xf32, #tpu.memory_space<vmem>>, %arg4: memref<1x128xf32, #tpu.memory_space<vmem>>, %arg5: memref<10112x128xf32, #tpu.memory_space<vmem>>) attributes {dimension_semantics = [], scalar_prefetch = 0 : i64, scratch_operands = 0 : i64, tpu.core_type = #tpu.core_type<tc>} {
    %get3A = arith.constant 0 : index
    %get3A_0 = arith.constant 0 : index
    %get3A_1 = vector.load %arg0[%get3A, %get3A_0] : memref<10000x128xf32, #tpu.memory_space<vmem>>, vector<10000x128xf32>
    %get3A_2 = arith.constant 0 : index
    %get3A_3 = arith.constant 0 : index
    %get3A_4 = vector.load %arg1[%get3A_2, %get3A_3] : memref<128x128xf32, #tpu.memory_space<vmem>>, vector<128x128xf32>
    %dot_general3A = arith.constant dense<0.000000e+00> : vector<10000x128xf32>
    %dot_general3A_5 = tpu.matmul %get3A_1, %get3A_4, %dot_general3A {dimension_numbers = #tpu.dot_dimension_numbers<[1], [1], [0], [0], [0, 0, 1, 0], [], []>, transpose_lhs_hint = false} : vector<10000x128xf32>, vector<128x128xf32>, vector<10000x128xf32> -> vector<10000x128xf32>
    %get3A_6 = arith.constant 0 : index
    %get3A_7 = arith.constant 0 : index
    %get3A_8 = vector.load %arg2[%get3A_6, %get3A_7] : memref<1x128xf32, #tpu.memory_space<vmem>>, vector<1x128xf32>
    %add3A = vector.broadcast %get3A_8 : vector<1x128xf32> to vector<10000x128xf32>
    %add3A_9 = arith.addf %dot_general3A_5, %add3A : vector<10000x128xf32>
    %get3A_10 = arith.constant 0 : index
    %get3A_11 = arith.constant 0 : index
    %get3A_12 = vector.load %arg3[%get3A_10, %get3A_11] : memref<1x128xf32, #tpu.memory_space<vmem>>, vector<1x128xf32>
    %get3A_13 = arith.constant 0 : index
    %get3A_14 = arith.constant 0 : index
    %get3A_15 = vector.load %arg4[%get3A_13, %get3A_14] : memref<1x128xf32, #tpu.memory_space<vmem>>, vector<1x128xf32>
    %reduce_sum3A = arith.constant dense<0.000000e+00> : vector<128xf32>
    %reduce_sum3A_16 = vector.multi_reduction <add>, %add3A_9, %reduce_sum3A [0] : vector<10000x128xf32> to vector<128xf32>
    %broadcast_in_dim3A = vector.shape_cast %reduce_sum3A_16 : vector<128xf32> to vector<1x128xf32>
    %div3A = arith.constant 1.000000e+04 : f32
    %div3A_17 = vector.broadcast %div3A : f32 to vector<1x128xf32>
    %div3A_18 = arith.divf %broadcast_in_dim3A, %div3A_17 : vector<1x128xf32>
    %sub3A = vector.broadcast %div3A_18 : vector<1x128xf32> to vector<10000x128xf32>
    %sub3A_19 = arith.subf %add3A_9, %sub3A : vector<10000x128xf32>
    %integer_pow3A = arith.mulf %sub3A_19, %sub3A_19 : vector<10000x128xf32>
    %reduce_sum3A_20 = arith.constant dense<0.000000e+00> : vector<128xf32>
    %reduce_sum3A_21 = vector.multi_reduction <add>, %integer_pow3A, %reduce_sum3A_20 [0] : vector<10000x128xf32> to vector<128xf32>
    %broadcast_in_dim3A_22 = vector.shape_cast %reduce_sum3A_21 : vector<128xf32> to vector<1x128xf32>
    %div3A_23 = arith.constant 1.000000e+04 : f32
    %div3A_24 = vector.broadcast %div3A_23 : f32 to vector<1x128xf32>
    %div3A_25 = arith.divf %broadcast_in_dim3A_22, %div3A_24 : vector<1x128xf32>
    %sub3A_26 = vector.broadcast %div3A_18 : vector<1x128xf32> to vector<10000x128xf32>
    %sub3A_27 = arith.subf %add3A_9, %sub3A_26 : vector<10000x128xf32>
    %mul3A = vector.broadcast %get3A_12 : vector<1x128xf32> to vector<10000x128xf32>
    %mul3A_28 = arith.mulf %mul3A, %sub3A_27 : vector<10000x128xf32>
    %add3A_29 = arith.constant 9.99999974E-6 : f32
    %add3A_30 = vector.broadcast %add3A_29 : f32 to vector<1x128xf32>
    %add3A_31 = arith.addf %div3A_25, %add3A_30 : vector<1x128xf32>
    %rsqrt3A = math.rsqrt %add3A_31 : vector<1x128xf32>
    %mul3A_32 = vector.broadcast %rsqrt3A : vector<1x128xf32> to vector<10000x128xf32>
    %mul3A_33 = arith.mulf %mul3A_28, %mul3A_32 : vector<10000x128xf32>
    %add3A_34 = vector.broadcast %get3A_15 : vector<1x128xf32> to vector<10000x128xf32>
    %add3A_35 = arith.addf %mul3A_33, %add3A_34 : vector<10000x128xf32>
    %swap3A = arith.constant 0 : index
    %swap3A_36 = arith.constant 0 : index
    %swap3A_37 = vector.load %arg5[%swap3A, %swap3A_36] : memref<10112x128xf32, #tpu.memory_space<vmem>>, vector<10000x128xf32>
    tpu.vector_store %arg5[%swap3A, %swap3A_36], %add3A_35 {strides = array<i32>} : memref<10112x128xf32, #tpu.memory_space<vmem>>, vector<10000x128xf32>,
    return
  }
}

module attributes {stable_mosaic.version = 14 : i64} {
  func.func @_layer_body(%arg0: memref<10112x128xf32, #tpu.memory_space<vmem>>, %arg1: memref<2x10112x128xf32, #tpu.memory_space<vmem>>, %arg2: memref<128x128xf32, #tpu.memory_space<vmem>>, %arg3: memref<128x128xf32, #tpu.memory_space<vmem>>, %arg4: memref<1x128xf32, #tpu.memory_space<vmem>>, %arg5: memref<1x128xf32, #tpu.memory_space<vmem>>, %arg6: memref<10112x128xf32, #tpu.memory_space<vmem>>) attributes {dimension_semantics = [], scalar_prefetch = 0 : i64, scratch_operands = 0 : i64, tpu.core_type = #tpu.core_type<tc>} {
    %get3A = arith.constant 0 : index
    %get3A_0 = arith.constant 0 : index
    %get3A_1 = vector.load %arg0[%get3A, %get3A_0] : memref<10112x128xf32, #tpu.memory_space<vmem>>, vector<10000x128xf32>
    %get3A_2 = arith.constant 0 : index
    %get3A_3 = arith.constant 0 : index
    %get3A_4 = arith.constant 0 : index
    %get3A_5 = vector.load %arg1[%get3A_2, %get3A_3, %get3A_4] : memref<2x10112x128xf32, #tpu.memory_space<vmem>>, vector<1x10000x128xf32>
    %get3A_6 = vector.shape_cast %get3A_5 : vector<1x10000x128xf32> to vector<10000x128xf32>
    %add3A = arith.addf %get3A_1, %get3A_6 : vector<10000x128xf32>
    %get3A_7 = arith.constant 1 : index
    %get3A_8 = arith.constant 0 : index
    %get3A_9 = arith.constant 0 : index
    %get3A_10 = vector.load %arg1[%get3A_7, %get3A_8, %get3A_9] : memref<2x10112x128xf32, #tpu.memory_space<vmem>>, vector<1x10000x128xf32>
    %get3A_11 = vector.shape_cast %get3A_10 : vector<1x10000x128xf32> to vector<10000x128xf32>
    %add3A_12 = arith.addf %add3A, %get3A_11 : vector<10000x128xf32>
    %get3A_13 = arith.constant 0 : index
    %get3A_14 = arith.constant 0 : index
    %get3A_15 = vector.load %arg2[%get3A_13, %get3A_14] : memref<128x128xf32, #tpu.memory_space<vmem>>, vector<128x128xf32>
    %dot_general3A = arith.constant dense<0.000000e+00> : vector<10000x128xf32>
    %dot_general3A_16 = tpu.matmul %add3A_12, %get3A_15, %dot_general3A {dimension_numbers = #tpu.dot_dimension_numbers<[1], [1], [0], [0], [0, 0, 1, 0], [], []>, transpose_lhs_hint = false} : vector<10000x128xf32>, vector<128x128xf32>, vector<10000x128xf32> -> vector<10000x128xf32>
    %max3A = arith.constant 0.000000e+00 : f32
    %max3A_17 = vector.broadcast %max3A : f32 to vector<10000x128xf32>
    %max3A_18 = arith.maximumf %dot_general3A_16, %max3A_17 : vector<10000x128xf32>
    %get3A_19 = arith.constant 0 : index
    %get3A_20 = arith.constant 0 : index
    %get3A_21 = vector.load %arg3[%get3A_19, %get3A_20] : memref<128x128xf32, #tpu.memory_space<vmem>>, vector<128x128xf32>
    %dot_general3A_22 = arith.constant dense<0.000000e+00> : vector<10000x128xf32>
    %dot_general3A_23 = tpu.matmul %max3A_18, %get3A_21, %dot_general3A_22 {dimension_numbers = #tpu.dot_dimension_numbers<[1], [1], [0], [0], [0, 0, 1, 0], [], []>, transpose_lhs_hint = false} : vector<10000x128xf32>, vector<128x128xf32>, vector<10000x128xf32> -> vector<10000x128xf32>
    %max3A_24 = arith.constant 0.000000e+00 : f32
    %max3A_25 = vector.broadcast %max3A_24 : f32 to vector<10000x128xf32>
    %max3A_26 = arith.maximumf %dot_general3A_23, %max3A_25 : vector<10000x128xf32>
    %get3A_27 = arith.constant 0 : index
    %get3A_28 = arith.constant 0 : index
    %get3A_29 = vector.load %arg4[%get3A_27, %get3A_28] : memref<1x128xf32, #tpu.memory_space<vmem>>, vector<1x128xf32>
    %get3A_30 = arith.constant 0 : index
    %get3A_31 = arith.constant 0 : index
    %get3A_32 = vector.load %arg5[%get3A_30, %get3A_31] : memref<1x128xf32, #tpu.memory_space<vmem>>, vector<1x128xf32>
    %reduce_sum3A = arith.constant dense<0.000000e+00> : vector<128xf32>
    %reduce_sum3A_33 = vector.multi_reduction <add>, %max3A_26, %reduce_sum3A [0] : vector<10000x128xf32> to vector<128xf32>
    %broadcast_in_dim3A = vector.shape_cast %reduce_sum3A_33 : vector<128xf32> to vector<1x128xf32>
    %div3A = arith.constant 1.000000e+04 : f32
    %div3A_34 = vector.broadcast %div3A : f32 to vector<1x128xf32>
    %div3A_35 = arith.divf %broadcast_in_dim3A, %div3A_34 : vector<1x128xf32>
    %sub3A = vector.broadcast %div3A_35 : vector<1x128xf32> to vector<10000x128xf32>
    %sub3A_36 = arith.subf %max3A_26, %sub3A : vector<10000x128xf32>
    %integer_pow3A = arith.mulf %sub3A_36, %sub3A_36 : vector<10000x128xf32>
    %reduce_sum3A_37 = arith.constant dense<0.000000e+00> : vector<128xf32>
    %reduce_sum3A_38 = vector.multi_reduction <add>, %integer_pow3A, %reduce_sum3A_37 [0] : vector<10000x128xf32> to vector<128xf32>
    %broadcast_in_dim3A_39 = vector.shape_cast %reduce_sum3A_38 : vector<128xf32> to vector<1x128xf32>
    %div3A_40 = arith.constant 1.000000e+04 : f32
    %div3A_41 = vector.broadcast %div3A_40 : f32 to vector<1x128xf32>
    %div3A_42 = arith.divf %broadcast_in_dim3A_39, %div3A_41 : vector<1x128xf32>
    %sub3A_43 = vector.broadcast %div3A_35 : vector<1x128xf32> to vector<10000x128xf32>
    %sub3A_44 = arith.subf %max3A_26, %sub3A_43 : vector<10000x128xf32>
    %mul3A = vector.broadcast %get3A_29 : vector<1x128xf32> to vector<10000x128xf32>
    %mul3A_45 = arith.mulf %mul3A, %sub3A_44 : vector<10000x128xf32>
    %add3A_46 = arith.constant 9.99999974E-6 : f32
    %add3A_47 = vector.broadcast %add3A_46 : f32 to vector<1x128xf32>
    %add3A_48 = arith.addf %div3A_42, %add3A_47 : vector<1x128xf32>
    %rsqrt3A = math.rsqrt %add3A_48 : vector<1x128xf32>
    %mul3A_49 = vector.broadcast %rsqrt3A : vector<1x128xf32> to vector<10000x128xf32>
    %mul3A_50 = arith.mulf %mul3A_45, %mul3A_49 : vector<10000x128xf32>
    %add3A_51 = vector.broadcast %get3A_32 : vector<1x128xf32> to vector<10000x128xf32>
    %add3A_52 = arith.addf %mul3A_50, %add3A_51 : vector<10000x128xf32>
    %swap3A = arith.constant 0 : index
    %swap3A_53 = arith.constant 0 : index
    %swap3A_54 = vector.load %arg6[%swap3A, %swap3A_53] : memref<10112x128xf32, #tpu.memory_space<vmem>>, vector<10000x128xf32>
    tpu.vector_store %arg6[%swap3A, %swap3A_53], %add3A_52 {strides = array<i32>} : memref<10112x128xf32, #tpu.memory_space<vmem>>, vector<10000x128xf32>,
    return
  }
}

module attributes {stable_mosaic.version = 14 : i64} {
  func.func @_pool_body(%arg0: memref<10112x128xf32, #tpu.memory_space<vmem>>, %arg1: memref<10000x1xi32, #tpu.memory_space<vmem>>, %arg2: memref<64x128xf32, #tpu.memory_space<vmem>>, %arg3: memref<64x128xf32, #tpu.memory_space<vmem>>) attributes {dimension_semantics = [], scalar_prefetch = 0 : i64, scratch_operands = 0 : i64, tpu.core_type = #tpu.core_type<tc>} {
    %get3A = arith.constant 0 : index
    %get3A_0 = arith.constant 0 : index
    %get3A_1 = vector.load %arg0[%get3A, %get3A_0] : memref<10112x128xf32, #tpu.memory_space<vmem>>, vector<10000x128xf32>
    %get3A_2 = arith.constant 0 : index
    %get3A_3 = arith.constant 0 : index
    %get3A_4 = vector.load %arg1[%get3A_2, %get3A_3] : memref<10000x1xi32, #tpu.memory_space<vmem>>, vector<10000x1xi32>
    %iota3A = tpu.iota {dimensions = array<i32: 1>} : vector<10000x64xi32>
    %eq3A = vector.broadcast %get3A_4 : vector<10000x1xi32> to vector<10000x64xi32>
    %eq3A_5 = arith.cmpi eq, %eq3A, %iota3A : vector<10000x64xi32>
    %convert_element_type3A = arith.extui %eq3A_5 : vector<10000x64xi1> to vector<10000x64xi32>
    %convert_element_type3A_6 = arith.sitofp %convert_element_type3A : vector<10000x64xi32> to vector<10000x64xf32>
    %dot_general3A = arith.constant dense<0.000000e+00> : vector<64x128xf32>
    %dot_general3A_7 = tpu.matmul %convert_element_type3A_6, %get3A_1, %dot_general3A {dimension_numbers = #tpu.dot_dimension_numbers<[0], [0], [1], [1], [0, 1, 1, 1], [], []>, transpose_lhs_hint = false} : vector<10000x64xf32>, vector<10000x128xf32>, vector<64x128xf32> -> vector<64x128xf32>
    %mul3A = arith.mulf %get3A_1, %get3A_1 : vector<10000x128xf32>
    %dot_general3A_8 = arith.constant dense<0.000000e+00> : vector<64x128xf32>
    %dot_general3A_9 = tpu.matmul %convert_element_type3A_6, %mul3A, %dot_general3A_8 {dimension_numbers = #tpu.dot_dimension_numbers<[0], [0], [1], [1], [0, 1, 1, 1], [], []>, transpose_lhs_hint = false} : vector<10000x64xf32>, vector<10000x128xf32>, vector<64x128xf32> -> vector<64x128xf32>
    %broadcast_in_dim3A = arith.constant 1.000000e+00 : f32
    %broadcast_in_dim3A_10 = vector.broadcast %broadcast_in_dim3A : f32 to vector<10000x1xf32>
    %dot_general3A_11 = arith.constant dense<0.000000e+00> : vector<64x1xf32>
    %dot_general3A_12 = tpu.matmul %convert_element_type3A_6, %broadcast_in_dim3A_10, %dot_general3A_11 {dimension_numbers = #tpu.dot_dimension_numbers<[0], [0], [1], [1], [0, 1, 1, 1], [], []>, transpose_lhs_hint = false} : vector<10000x64xf32>, vector<10000x1xf32>, vector<64x1xf32> -> vector<64x1xf32>
    %max3A = arith.constant 1.000000e+00 : f32
    %max3A_13 = vector.broadcast %max3A : f32 to vector<64x1xf32>
    %max3A_14 = arith.maximumf %dot_general3A_12, %max3A_13 : vector<64x1xf32>
    %div3A = vector.broadcast %max3A_14 : vector<64x1xf32> to vector<64x128xf32>
    %div3A_15 = arith.divf %dot_general3A_7, %div3A : vector<64x128xf32>
    %div3A_16 = vector.broadcast %max3A_14 : vector<64x1xf32> to vector<64x128xf32>
    %div3A_17 = arith.divf %dot_general3A_9, %div3A_16 : vector<64x128xf32>
    %mul3A_18 = arith.mulf %div3A_15, %div3A_15 : vector<64x128xf32>
    %sub3A = arith.subf %div3A_17, %mul3A_18 : vector<64x128xf32>
    %max3A_19 = arith.constant 0.000000e+00 : f32
    %max3A_20 = vector.broadcast %max3A_19 : f32 to vector<64x128xf32>
    %max3A_21 = arith.maximumf %sub3A, %max3A_20 : vector<64x128xf32>
    %sqrt3A = math.sqrt %max3A_21 : vector<64x128xf32>
    %swap3A = arith.constant 0 : index
    %swap3A_22 = arith.constant 0 : index
    %swap3A_23 = vector.load %arg2[%swap3A, %swap3A_22] : memref<64x128xf32, #tpu.memory_space<vmem>>, vector<64x128xf32>
    tpu.vector_store %arg2[%swap3A, %swap3A_22], %div3A_15 {strides = array<i32>} : memref<64x128xf32, #tpu.memory_space<vmem>>, vector<64x128xf32>,
    %swap3A_24 = arith.constant 0 : index
    %swap3A_25 = arith.constant 0 : index
    %swap3A_26 = vector.load %arg3[%swap3A_24, %swap3A_25] : memref<64x128xf32, #tpu.memory_space<vmem>>, vector<64x128xf32>
    tpu.vector_store %arg3[%swap3A_24, %swap3A_25], %sqrt3A {strides = array<i32>} : memref<64x128xf32, #tpu.memory_space<vmem>>, vector<64x128xf32>,
    return
  }
}

</mosaic_0001>

<sc_bundles>
// kernel: kernel.13.cloned.1.call-start
scs
__scs_entry_jumppad:
0x0: {  	(pc) =	sbr.rel $0x88, $3  }
0x1: {  	(tag) =	ssettag $0x0;
	lr =	simm.s32 $0x1  }
0x2: {  	[smem:$0x3F96] =	sst lr;
	_ =	strace $0xD0000000  }
0x3: {  	_ = 	snop  }
0x4: {  	_ = 	snop  }
0x5: {  	_ = 	snop  }
0x6: {  	_ = 	snop  }
0x7: {  	_ = 	snop  }
__scs_overlays_trampoline_lowered:
0x8: {  	[smem:$0x3FA5] =	sst s0  }
0x9: {  	[smem:$0x3FA6] =	sst s1  }
0xa: {  	[smem:$0x3FA7] =	sst s2  }
0xb: {  	[smem:$0x3FA8] =	sst s3  }
0xc: {  	[smem:$0x3FA9] =	sst s4  }
0xd: {  	[smem:$0x3FAA] =	sst s5  }
0xe: {  	[smem:$0x3FAB] =	sst s6  }
0xf: {  	[smem:$0x3FAC] =	sst s7  }
0x10: {  	[smem:$0x3FAD] =	sst s8  }
0x11: {  	[smem:$0x3FAE] =	sst s9;
	s0 =	simm.s32 @!p0 $0x0  }
0x12: {  	s1 =	sld [smem:$0x3F94];
	s0 =	simm.s32 @p0 $0x1  }
0x13: {  	[smem:$0x3FAF] =	sst s0;
	s0 =	simm.s32 @!p1 $0x0  }
0x14: {  	s2 =	sld [smem:$0x3F93];
	s0 =	simm.s32 @p1 $0x1  }
0x15: {  	[smem:$0x3FB0] =	sst s0;
	s0 =	simm.s32 @!p2 $0x0  }
0x16: {  	s3 =	sld [smem:$0x3FDB];
	s0 =	simm.s32 @p2 $0x1  }
0x17: {  	s4 =	simm.s32 $0x1BF5;
	[smem:$0x3FB2] =	sst s0  }
0x18: {  	s0 =	sld [smem:$0x3F95];
	_ =	swait.ge [sflag:s4], $0x0  }
0x19: {  	s7 =	sld [smem:$0x3F96]  }
0x1a: {  	s8 =	sadd.s32 $0xFFFFE003, lr  }
0x1b: {  	s9 =	sadd.s32 $0xFFFFFEF7, lr;
	s5 =	simm.s32 $0xFFFFFFFF;
	p2 =	slt.u32 s8, $0xFFFFF086  }
0x1c: {  	p1 =	slt.u32 s9, $0xF7A;
	s5 =	simm.s32 @!p2 $0x0  }
0x1d: {  	s5 =	simm.s32 @p1 $0x1;
	p0 =	seq.s32 s7, s2  }
0x1e: {  	s7 =	smul.u32 @!p0 $0xF7A, s2;
	p2 =	seq.s32 @!p0 s5, $0x0  }
0x1f: {  	s9 =	smul.u32 $0xF7A, s1;
	s8 =	simm.s32 @!p0 $0x1BF5;
	p2 =	por !p2, p0  }
0x20: {  	[sflag:s8] =	ssyncset.s32 @!p0 $0xFFFFF086;
	s6 =	sadd.s32 @!p0 s3, s7;
	s7 =	simm.s32 @!p0 $0x108  }
0x21: {  	s3 =	sadd.s32 s3, s9;
	s6 =	sadd.s32 @!p0 $0x88, s6;
	s7 =	simm.s32 @p2 $0x1082  }
0x22: {  	[simem:s7], [sflag:s8] =	dma.local @!p0 [hbm:s6], $0xF7A  }
0x23: {  	s9 =	sor.u32 $0xD0000000, s2;
	s6 =	simm.s32 $0x108;
	_ =	swait.ge @!p0 [sflag:s8], $0x0  }
0x24: {  	s3 =	sadd.s32 $0x88, s3;
	s6 =	simm.s32 @!p1 $0x1082;
	[sflag:s4] =	ssyncset.s32 $0xFFFFF086  }
0x25: {  	[simem:s6], [sflag:s4] =	dma.local [hbm:s3], $0xF7A  }
0x26: {  	[smem:$0x3F96] =	sst s1;
	(tag) =	ssettag s2;
	_ =	strace s9  }
0x27: {  	s1 =	sld [smem:$0x3FA6]  }
0x28: {  	s2 =	sld [smem:$0x3FA7]  }
0x29: {  	s4 =	sld [smem:$0x3FA9]  }
0x2a: {  	p0 =	seq.s32 s5, $0x0;
	s5 =	sld [smem:$0x3FAA]  }
0x2b: {  	s6 =	sld [smem:$0x3FAB]  }
0x2c: {  	s7 =	sld [smem:$0x3FAC]  }
0x2d: {  	s3 =	simm.s32 $0x108;
	s8 =	sld [smem:$0x3FAD]  }
0x2e: {  	s3 =	simm.s32 @!p0 $0x1082;
	s9 =	sld [smem:$0x3FAE]  }
0x2f: {  	lr =	sadd.s32 s0, s3;
	s0 =	sld [smem:$0x3FA5]  }
0x30: {  	s3 =	sld [smem:$0x3FA8]  }
0x31: {  	[smem:$0x3FB1] =	sst s10  }
0x32: {  	s10 =	sld [smem:$0x3FAF];
	_ =	sdelay $0x3  }
0x33: {  	p0 =	seq.s32 s10, $0x1;
	s10 =	sld [smem:$0x3FB1];
	_ =	sdelay $0x3  }
0x34: {  	[smem:$0x3FB1] =	sst s10  }
0x35: {  	s10 =	sld [smem:$0x3FB0];
	_ =	sdelay $0x3  }
0x36: {  	p1 =	seq.s32 s10, $0x1;
	s10 =	sld [smem:$0x3FB1];
	_ =	sdelay $0x3  }
0x37: {  	[smem:$0x3FB1] =	sst s10  }
0x38: {  	s10 =	sld [smem:$0x3FB2]  }
0x39: {  	_ = 	snop;
	(pc) =	sbr.ind lr, $3  }
0x3a: {  	_ = 	snop  }
0x3b: {  	_ = 	snop  }
0x3c: {  	p2 =	seq.s32 s10, $0x1;
	s10 =	sld [smem:$0x3FB1]  }
0x3d: {  	_ =	shalt  }
0x3e: {  	_ =	shalt  }
0x3f: {  	_ =	shalt  }
0x40: {  	_ =	shalt  }
0x41: {  	_ =	shalt  }
0x42: {  	_ =	shalt  }
0x43: {  	_ =	shalt  }
0x44: {  	_ =	shalt  }
0x45: {  	_ =	shalt  }
0x46: {  	_ =	shalt  }
0x47: {  	_ =	shalt  }
0x48: {  	_ =	shalt  }
0x49: {  	_ =	shalt  }
0x4a: {  	_ =	shalt  }
0x4b: {  	_ =	shalt  }
0x4c: {  	_ =	shalt  }
0x4d: {  	_ =	shalt  }
0x4e: {  	_ =	shalt  }
0x4f: {  	_ =	shalt  }
0x50: {  	_ =	shalt  }
0x51: {  	_ =	shalt  }
0x52: {  	_ =	shalt  }
0x53: {  	_ =	shalt  }
0x54: {  	_ =	shalt  }
0x55: {  	_ =	shalt  }
0x56: {  	_ =	shalt  }
0x57: {  	_ =	shalt  }
0x58: {  	_ =	shalt  }
0x59: {  	_ =	shalt  }
0x5a: {  	_ =	shalt  }
0x5b: {  	_ =	shalt  }
0x5c: {  	_ =	shalt  }
0x5d: {  	_ =	shalt  }
0x5e: {  	_ =	shalt  }
0x5f: {  	_ =	shalt  }
0x60: {  	_ =	shalt  }
0x61: {  	_ =	shalt  }
0x62: {  	_ =	shalt  }
0x63: {  	_ =	shalt  }
0x64: {  	_ =	shalt  }
0x65: {  	_ =	shalt  }
0x66: {  	_ =	shalt  }
0x67: {  	_ =	shalt  }
0x68: {  	_ =	shalt  }
0x69: {  	_ =	shalt  }
0x6a: {  	_ =	shalt  }
0x6b: {  	_ =	shalt  }
0x6c: {  	_ =	shalt  }
0x6d: {  	_ =	shalt  }
0x6e: {  	_ =	shalt  }
0x6f: {  	_ =	shalt  }
0x70: {  	_ =	shalt  }
0x71: {  	_ =	shalt  }
0x72: {  	_ =	shalt  }
0x73: {  	_ =	shalt  }
0x74: {  	_ =	shalt  }
0x75: {  	_ =	shalt  }
0x76: {  	_ =	shalt  }
0x77: {  	_ =	shalt  }
0x78: {  	_ =	shalt  }
0x79: {  	_ =	shalt  }
0x7a: {  	_ =	shalt  }
0x7b: {  	_ =	shalt  }
0x7c: {  	_ =	shalt  }
0x7d: {  	_ =	shalt  }
0x7e: {  	_ =	shalt  }
0x7f: {  	_ =	shalt  }
0x80: {  	_ =	shalt  }
0x81: {  	_ =	shalt  }
0x82: {  	_ =	shalt  }
0x83: {  	_ =	shalt  }
0x84: {  	_ =	shalt  }
0x85: {  	_ =	shalt  }
0x86: {  	_ =	shalt  }
0x87: {  	_ =	shalt  }
.Lfunc_end0:
.L_simem_size_0:
called_computation_lowered:
.L_overlay_start_0:
0x88: {  	s2 =	sld [smem:$0x3FD9]  }
0x89: {  	s3 =	sld [smem:$0x3FFE];
	_ =	sdelay $0x1  }
0x8a: {  	s1 =	srdreg.scid  }
0x8b: {  	s0 =	sand.u32 $0x1, s1  }
0x8c: {  	s16 =	sshll.u32 s0, $0xA;
	s2 =	sadd.s32 s3, s2  }
0x8d: {  	s2 =	sadd.s32 s2, s16  }
0x8e: {  	[smem:$0x3FBD] =	sst s2  }
0x8f: {  	_ = 	snop  }
0x90: {  	(tm) =	ssettm $0x1  }
0x91: {  	s17 =	sld [smem:$0x3FFB];
	_ =	sdelay $0x3  }
0x92: {  	_ =	strace s17  }
0x93: {  	s2 =	sld [smem:$0x3FFC];
	_ =	sdelay $0x3  }
0x94: {  	_ =	strace s2  }
0x95: {  	s2 =	sld [smem:$0x3FFD];
	_ =	sdelay $0x3  }
0x96: {  	_ =	strace s2  }
0x97: {  	_ =	strace $0x8FFFFFFF  }
0x98: {  	s18 =	sld [smem:$0x3FDB];
	_ =	sdelay $0x1  }
0x99: {  	s19 =	simm.s32 $_scs_section_size  }
0x9a: {  	s4 =	simm.s32 $_size__tile_overlayer_lowered;
	s5 =	simm.s32 $_tile_overlayer_lowered  }
0x9b: {  	s22 =	simm.s32 $0x1BFF;
	s21 =	sshll.u32 s5, $0x1;
	s2 =	sadd.s32 s19, s18  }
0x9c: {  	s6 =	simm.s32 $0x0;
	s20 =	sshll.u32 s4, $0x1;
	s4 =	sadd.s32 s21, s2  }
0x9d: {  	[timem:s6], [sflag:s22] =	dma.local [hbm:s4], s20  }
0x9e: {  	_ =	swait.ge [sflag:s22], s20  }
0x9f: {  	s3 =	ssub.s32 $0x0, s20;
	[sflag:s22] =	ssyncset.done $0x0  }
0xa0: {  	[sflag:s22] =	ssyncadd.s32 s3;
	_ =	sdelay $0x1  }
0xa1: {  	s23 =	simm.s32 $0x1B8B  }
0xa2: {  	_ =	swait.ge [sflag:s23], $0x1  }
0xa3: {  	[sflag:s23] =	ssyncset.done $0x0  }
0xa4: {  	s25 =	simm.s32 $0x1B8E;
	s24 =	sld [smem:$0x3FFE];
	[sflag:s23] =	ssyncadd.s32 $0xFFFFFFFF  }
0xa5: {  	s26 =	simm.s32 $execute0_lowered;
	[smem:$0x3FD2] =	sst s25  }
0xa6: {  	s4 =	sshll.u32 s26, $0x1;
	_ =	strace $0x80000046;
	[dreg:$0x1] =	wrdreg $0xFFFFFFFF  }
0xa7: {  	s28 =	simm.s32 $_size_execute0_lowered;
	s2 =	sadd.s32 s2, s4;
	[dreg:$0x0] =	wrdreg $0x0  }
0xa8: {  	s4 =	sshll.u32 s28, $0x1;
	[dreg:$0x2] =	wrdreg s2  }
0xa9: {  	[dreg:$0x3] =	wrdreg s4  }
0xaa: {  	[dreg:$0x4] =	wrdreg $0xC0  }
0xab: {  	_ =	task [dreg:s6], $0x5FFFF  }
0xac: {  	[dreg:$0x1] =	wrdreg $0xFFFFFFFF  }
0xad: {  	[dreg:$0x0] =	wrdreg $0x60  }
0xae: {  	[dreg:$0x2] =	wrdreg s24  }
0xaf: {  	[dreg:$0x3] =	wrdreg $0xB7800  }
0xb0: {  	[dreg:$0x4] =	wrdreg $0x9  }
0xb1: {  	_ =	task.clear_ibuf [dreg:s6], $0x5FFFF;
	_ =	strace $0x90000046  }
0xb2: {  	s29 =	simm.s32 $0x9;
	_ =	strace $0x80000048  }
0xb3: {  	_ =	swait.ge [sflag:s29], $0x1  }
0xb4: {  	[sflag:s29] =	ssyncadd.s32 $0xFFFFFFFF  }
0xb5: {  	_ =	strace $0x90000048  }
0xb6: {  	_ =	sfence  }
0xb7: {  	s30 =	sld [smem:$0x0];
	_ =	sdelay $0x2  }
0xb8: {  	s31 =	sshll.u32 s1, $0xD;
	s1 =	sshrl.u32 s1, $0x2  }
0xb9: {  	s3 =	sand.u32 $0x4000, s31;
	s1 =	sadd.s32 s1, s30  }
0xba: {  	s0 =	sor.u32 s3, s0;
	s1 =	sshll.u32 s1, $0x11  }
0xbb: {  	s0 =	sor.u32 s1, s0  }
0xbc: {  	s0 =	sadd.s32 $0x8F2B, s0  }
0xbd: {  	[sflag:s0] =	ssyncadd.remote.s32 $0x1  }
0xbe: {  	_ =	sfence.sel $0xFFFF  }
0xbf: {  	[dreg:$0x0] =	wrdreg $0xFFFFFFFF;
	(pc) =	sbr.abs _section_cstart, $3  }
0xc0: {  	[dreg:$0x1] =	wrdreg $0xFFFFFFFF  }
0xc1: {  	_ =	task.clear_ibuf [dreg:s6], $0x2FFFF;
	_ =	strace $0x9FFFFFFF  }
0xc2: {  	(tm) =	ssettm $0x7FFFFFFF  }
0xc3: {  	_ =	shalt  }
tec
execute0_lowered:
.L_overlay_start_1:
0x0: {  	(tag) =	ssettag $0x1  }
0x1: {  	s6 =	rddreg [dreg:$0x0]  }
0x2: {  	s0 =	srdreg.scid;
	s2 =	rddreg [dreg:$0x1]  }
0x3: {  	s3 =	simm.s32 $0x0;
	s14 =	simm.s32 $0x50;
	s15 =	simm.s32 $0x6780  }
0x4: {  	s16 =	simm.s32 $0x3;
	s17 =	simm.s32 $0x8F80;
	s18 =	simm.s32 $0x1  }
0x5: {  	s19 =	simm.s32 $0x2;
	s5 =	sand.u32 $0x1, s0;
	s0 =	stileid.u32  }
0x6: {  	s20 =	simm.s32 $0x6580;
	s22 =	simm.s32 $0x0;
	s8 =	smul.u32 $0x13C00, s0  }
0x7: {  	[smem:$0x7FF] =	sst s3;
	s1 =	sshll.u32 s5, $0x4;
	s10 =	smul.u32 $0x13C000, s5  }
0x8: {  	s28 =	smul.u32 $0x4F000, s0;
	s5 =	ssub.s32 $0x2, s5;
	s21 =	sshll.u32 s0, $0x6  }
0x9: {  	s4 =	sor.u32 s0, s1;
	s1 =	rddreg [dreg:$0x2];
	_ =	strace $0x80000047  }
0xa: {  	s29 =	sshrl.u32 s5, $0x1;
	s7 =	smul.u32 $0x4E2, s4;
	s9 =	sshll.u32 s4, $0xB  }
0xb: {  	s4 =	sadd.s32 $0x1DE00, s6;
	s11 =	sshrl.u32 s8, $0x3;
	s8 =	sadd.s32 s8, s10  }
0xc: {  	s30 =	sshrl.u32 s28, $0x2;
	s31 =	ssub.s32 s5, s29;
	s9 =	sadd.s32 s9, s6  }
0xd: {  	s11 =	sadd.s32 s11, s6;
	s8 =	sshrl.u32 s8, $0x3;
	s13 =	sadd.s32 s30, s2  }
0xe: {  	s10 =	smax.u32 s31, $0x1;
	s7 =	sadd.s32 s7, s6;
	s12 =	sadd.s32 s8, s6  }
0xf: {  	s5 =	sadd.s32 $0x45600, s11;
	s6 =	sor.u32 $0x1C03, s21;
	s8 =	sadd.s32 $0xDE00, s9  }
0x10: {  	s11 =	sshrl.u32 s13, $0x3;
	s13 =	simm.s32 $0x2780;
	s21 =	sor.u32 $0x1C04, s21  }
0x11: {  	s7 =	sadd.s32 $0x4000, s7;
	s9 =	sadd.s32 $0x6CE00, s12;
	s12 =	simm.s32 $0x4  }
.LBB2_1:
0x12: {  	[spmem:s11], [sflag:s6] =	dma.local [hbm:s5], $0x2780  }
0x13: {  	[tilespmem:s3], [sflag:$0x4] =	stream.linear.gather [hbm4b:s7+s3], $0x2710, $0x38;
	[tilespmem:$0x1F380] =	vst v63  }
0x14: {  	_ =	swait.ge [sflag:s12], $0x2710  }
0x15: {  	[sflag:s12] =	ssyncset.done $0x0  }
0x16: {  	[sflag:s12] =	ssyncadd.s32 $0xFFFFD8F0  }
0x17: {  	[tilespmem:s13], [sflag:$0x4] =	stream.linear.gather [hbm4b:s8+s3], $0x3E80, $0x38;
	[tilespmem:$0x1F380] =	vst v63  }
0x18: {  	_ =	swait.ge [sflag:s12], $0x3E80  }
0x19: {  	[sflag:s12] =	ssyncset.done $0x0  }
0x1a: {  	[sflag:s12] =	ssyncadd.s32 $0xFFFFC180  }
0x1b: {  	[tilespmem:s15], [sflag:$0x1] =	stream.indirect.gather [hbm4b:s4+s14], $0x80, s3, s14, $0xb8;
	[tilespmem:$0x1F380] =	vst v63  }
0x1c: {  	_ =	swait.ge [sflag:s16], $0x2780  }
0x1d: {  	[sflag:s16] =	ssyncset.done $0x0  }
0x1e: {  	[sflag:s16] =	ssyncadd.s32 $0xFFFFD880  }
0x1f: {  	s23 =	simm.s32 $0x50;
	[bflag:$0x0] =	sbarrier.arrive $0xFFFF  }
0x20: {  	[tilespmem:s17], [sflag:$0x2] =	stream.indirect.gather [hbm4b:s4+s14], $0x80, s23, s14, $0xb8;
	[tilespmem:$0x1F380] =	vst v63  }
0x21: {  	_ =	swait.ge [sflag:s18], $0x2800  }
0x22: {  	[sflag:s18] =	ssyncset.done $0x0  }
0x23: {  	s29 =	simm.s32 $0x2780;
	[sflag:s18] =	ssyncadd.s32 $0xFFFFD800  }
0x24: {  	[spmem:s2] =	stream.indirect.scatter.add.f32 [tilespmem:s15], [sflag:$0x4], $0x80, s29, s14, $0xb8;
	[tilespmem:$0x1F380] =	vst v63  }
0x25: {  	_ =	swait.ge [sflag:s12], $0x2800  }
0x26: {  	[sflag:s12] =	ssyncset.done $0x0  }
0x27: {  	s30 =	simm.s32 $0xA0;
	[sflag:s12] =	ssyncadd.s32 $0xFFFFD800  }
0x28: {  	[tilespmem:s15], [sflag:$0x1] =	stream.indirect.gather [hbm4b:s4+s14], $0x80, s30, s14, $0xb8;
	[tilespmem:$0x1F380] =	vst v63  }
0x29: {  	_ =	swait.ge [sflag:s19], $0x2800  }
0x2a: {  	[sflag:s19] =	ssyncset.done $0x0  }
0x2b: {  	s31 =	simm.s32 $0x2800;
	[sflag:s19] =	ssyncadd.s32 $0xFFFFD800  }
0x2c: {  	[spmem:s2] =	stream.indirect.scatter.add.f32 [tilespmem:s17], [sflag:$0x4], $0x80, s31, s14, $0xb8;
	[tilespmem:$0x1F380] =	vst v63  }
0x2d: {  	s24 =	simm.s32 $0x400;
	_ =	swait.ge [sflag:s12], $0x2800  }
0x2e: {  	s25 =	simm.s32 $0x800;
	s23 =	simm.s32 $0x140;
	[sflag:s12] =	ssyncset.done $0x0  }
.LBB2_2:
0x2f: {  	p0 =	sne.s32 s25, $0xF400;
	s26 =	sadd.s32 $0xFFFFFFB0, s23;
	[sflag:s12] =	ssyncadd.s32 $0xFFFFD800  }
0x30: {  	[tilespmem:s17], [sflag:$0x2] =	stream.indirect.gather [hbm4b:s4+s14], $0x80, s26, s14, $0xb8;
	[tilespmem:$0x1F380] =	vst v63  }
0x31: {  	s26 =	smov.u32 s25;
	s25 =	sadd.s32 $0x400, s25;
	_ =	swait.ge [sflag:s18], $0x2800  }
0x32: {  	s28 =	sshra.s32 s24, $0x2;
	s24 =	smov.u32 s26;
	[sflag:s18] =	ssyncset.done $0x0  }
0x33: {  	s26 =	sadd.s32 $0x2780, s28;
	[sflag:s18] =	ssyncadd.s32 $0xFFFFD800  }
0x34: {  	[spmem:s2] =	stream.indirect.scatter.add.f32 [tilespmem:s15], [sflag:$0x4], $0x80, s26, s14, $0xb8;
	[tilespmem:$0x1F380] =	vst v63  }
0x35: {  	_ =	swait.ge [sflag:s12], $0x2800  }
0x36: {  	[sflag:s12] =	ssyncset.done $0x0  }
0x37: {  	[sflag:s12] =	ssyncadd.s32 $0xFFFFD800  }
0x38: {  	[tilespmem:s15], [sflag:$0x1] =	stream.indirect.gather [hbm4b:s4+s14], $0x80, s23, s14, $0xb8;
	[tilespmem:$0x1F380] =	vst v63  }
0x39: {  	_ =	swait.ge [sflag:s19], $0x2800  }
.Ltmp0:
0x3a: {  	[sflag:s19] =	ssyncset.done $0x0;
	(pc) =	sbr.rel @p0 .LBB2_2-.Ltmp0, $4  }
0x3b: {  	s26 =	sadd.s32 $0x2800, s28;
	[sflag:s19] =	ssyncadd.s32 $0xFFFFD800  }
0x3c: {  	[spmem:s2] =	stream.indirect.scatter.add.f32 [tilespmem:s17], [sflag:$0x4], $0x80, s26, s14, $0xb8;
	[tilespmem:$0x1F380] =	vst v63  }
0x3d: {  	_ =	swait.ge [sflag:s12], $0x2800  }
0x3e: {  	s23 =	sadd.s32 $0xA0, s23;
	[sflag:s12] =	ssyncset.done $0x0  }
0x3f: {  	s25 =	sadd.s32 $0xFFFFFFB0, s23;
	[sflag:s12] =	ssyncadd.s32 $0xFFFFD800  }
0x40: {  	[tilespmem:s17], [sflag:$0x2] =	stream.indirect.gather [hbm4b:s4+s14], $0x80, s25, s14, $0xb8;
	[tilespmem:$0x1F380] =	vst v63  }
0x41: {  	_ =	swait.ge [sflag:s18], $0x2800  }
0x42: {  	s24 =	sshra.s32 s24, $0x2;
	[sflag:s18] =	ssyncset.done $0x0  }
0x43: {  	s30 =	sadd.s32 $0x2780, s24;
	[sflag:s18] =	ssyncadd.s32 $0xFFFFD800  }
0x44: {  	[spmem:s2] =	stream.indirect.scatter.add.f32 [tilespmem:s15], [sflag:$0x4], $0x80, s30, s14, $0xb8;
	[tilespmem:$0x1F380] =	vst v63  }
0x45: {  	_ =	swait.ge [sflag:s12], $0x2800  }
0x46: {  	[sflag:s12] =	ssyncset.done $0x0  }
0x47: {  	[sflag:s12] =	ssyncadd.s32 $0xFFFFD800  }
0x48: {  	[tilespmem:s15], [sflag:$0x1] =	stream.indirect.gather [hbm4b:s4+s14], $0x80, s23, s14, $0xb8;
	[tilespmem:$0x1F380] =	vst v63  }
0x49: {  	_ =	swait.ge [sflag:s19], $0x2800  }
0x4a: {  	[sflag:s19] =	ssyncset.done $0x0  }
0x4b: {  	s31 =	sadd.s32 $0x2800, s24;
	[sflag:s19] =	ssyncadd.s32 $0xFFFFD800  }
0x4c: {  	[spmem:s2] =	stream.indirect.scatter.add.f32 [tilespmem:s17], [sflag:$0x4], $0x80, s31, s14, $0xb8;
	[tilespmem:$0x1F380] =	vst v63  }
0x4d: {  	_ =	swait.ge [sflag:s12], $0x2800  }
0x4e: {  	[sflag:s12] =	ssyncset.done $0x0  }
0x4f: {  	[sflag:s12] =	ssyncadd.s32 $0xFFFFD800  }
0x50: {  	_ =	swait.ge [sflag:s18], $0x2800  }
0x51: {  	[sflag:s18] =	ssyncset.done $0x0  }
0x52: {  	[sflag:s18] =	ssyncadd.s32 $0xFFFFD800  }
0x53: {  	[spmem:s2] =	stream.indirect.scatter.add.f32 [tilespmem:s15], [sflag:$0x4], $0x80, s20, s14, $0xb8;
	[tilespmem:$0x1F380] =	vst v63  }
0x54: {  	_ =	swait.ge [sflag:s12], $0x2800  }
0x55: {  	s22 =	sadd.s32 $0x1, s22;
	[sflag:s12] =	ssyncset.done $0x0  }
0x56: {  	p0 =	sne.s32 s22, s10;
	[sflag:s12] =	ssyncadd.s32 $0xFFFFD800  }
.Ltmp1:
0x57: {  	[bflag:$0x0] =	sbarrier.arrive $0xFFFF;
	(pc) =	sbr.rel @p0 .LBB2_1-.Ltmp1, $4  }
0x58: {  	[hbm:s9], [sflag:s21] =	dma.local [spmem:s11], $0x2780  }
0x59: {  	_ =	swait.ge [sflag:s12], $0x2780  }
0x5a: {  	[sflag:s12] =	ssyncset.done $0x0  }
0x5b: {  	[sflag:s12] =	ssyncadd.s32 $0xFFFFD880  }
0x5c: {  	_ =	sfence.sel $0x180000  }
0x5d: {  	[bflag:$0x0] =	sbarrier.arrive $0xFFFF  }
0x5e: {  	p0 =	sne.s32 s0, $0x0;
	_ =	strace $0x90000047  }
0x5f: {  	s0 =	sadd.s32 @!p0 $0x100000, s1;
	[bflag:$0x2] =	sbarrier.arrive $0xFFFF  }
0x60: {  	[sflag:s0] =	ssyncadd.tile.s32 @!p0 $0x1;
	_ =	shalt  }
.Lfunc_end2:
_tile_overlayer_lowered:
.L_overlay_start_2:
0x61: {  	(tag) =	ssettag $0x2  }
0x62: {  	s0 =	rddreg [dreg:$0x0];
	s2 =	stileid.u32  }
0x63: {  	s1 =	rddreg [dreg:$0x1];
	p0 =	sne.s32 s2, $0x0  }
0x64: {  	s3 =	rddreg [dreg:$0x2];
	[bflag:$0x3] =	sbarrier.arrive $0xFFFF;
	s2 =	simm.s32 @!p0 $0x1C04  }
0x65: {  	[timem:s3], [sflag:s2] =	dma.local @!p0 [hbm:s0], s1  }
0x66: {  	s0 =	simm.s32 @!p0 $0x4  }
0x67: {  	_ =	swait.ge @!p0 [sflag:s0], s1  }
0x68: {  	s1 =	ssub.s32 @!p0 $0x0, s1;
	[sflag:s0] =	ssyncset.done @!p0 $0x0  }
0x69: {  	[sflag:s0] =	ssyncadd.s32 @!p0 s1  }
0x6a: {  	[bflag:$0x3] =	sbarrier.arrive $0xFFFF  }
0x6b: {  	_ =	shalt  }

// kernel: kernel.16.cloned.1.call-start
scs
__scs_entry_jumppad:
0x0: {  	(pc) =	sbr.rel $0x88, $3  }
0x1: {  	(tag) =	ssettag $0x0;
	lr =	simm.s32 $0x1  }
0x2: {  	[smem:$0x3F96] =	sst lr;
	_ =	strace $0xD0000000  }
0x3: {  	_ = 	snop  }
0x4: {  	_ = 	snop  }
0x5: {  	_ = 	snop  }
0x6: {  	_ = 	snop  }
0x7: {  	_ = 	snop  }
__scs_overlays_trampoline_lowered:
0x8: {  	[smem:$0x3FA5] =	sst s0  }
0x9: {  	[smem:$0x3FA6] =	sst s1  }
0xa: {  	[smem:$0x3FA7] =	sst s2  }
0xb: {  	[smem:$0x3FA8] =	sst s3  }
0xc: {  	[smem:$0x3FA9] =	sst s4  }
0xd: {  	[smem:$0x3FAA] =	sst s5  }
0xe: {  	[smem:$0x3FAB] =	sst s6  }
0xf: {  	[smem:$0x3FAC] =	sst s7  }
0x10: {  	[smem:$0x3FAD] =	sst s8  }
0x11: {  	[smem:$0x3FAE] =	sst s9;
	s0 =	simm.s32 @!p0 $0x0  }
0x12: {  	s1 =	sld [smem:$0x3F94];
	s0 =	simm.s32 @p0 $0x1  }
0x13: {  	[smem:$0x3FAF] =	sst s0;
	s0 =	simm.s32 @!p1 $0x0  }
0x14: {  	s2 =	sld [smem:$0x3F93];
	s0 =	simm.s32 @p1 $0x1  }
0x15: {  	[smem:$0x3FB0] =	sst s0;
	s0 =	simm.s32 @!p2 $0x0  }
0x16: {  	s3 =	sld [smem:$0x3FDB];
	s0 =	simm.s32 @p2 $0x1  }
0x17: {  	s4 =	simm.s32 $0x1BF5;
	[smem:$0x3FB2] =	sst s0  }
0x18: {  	s0 =	sld [smem:$0x3F95];
	_ =	swait.ge [sflag:s4], $0x0  }
0x19: {  	s7 =	sld [smem:$0x3F96]  }
0x1a: {  	s8 =	sadd.s32 $0xFFFFE003, lr  }
0x1b: {  	s9 =	sadd.s32 $0xFFFFFEF7, lr;
	s5 =	simm.s32 $0xFFFFFFFF;
	p2 =	slt.u32 s8, $0xFFFFF086  }
0x1c: {  	p1 =	slt.u32 s9, $0xF7A;
	s5 =	simm.s32 @!p2 $0x0  }
0x1d: {  	s5 =	simm.s32 @p1 $0x1;
	p0 =	seq.s32 s7, s2  }
0x1e: {  	s7 =	smul.u32 @!p0 $0xF7A, s2;
	p2 =	seq.s32 @!p0 s5, $0x0  }
0x1f: {  	s9 =	smul.u32 $0xF7A, s1;
	s8 =	simm.s32 @!p0 $0x1BF5;
	p2 =	por !p2, p0  }
0x20: {  	[sflag:s8] =	ssyncset.s32 @!p0 $0xFFFFF086;
	s6 =	sadd.s32 @!p0 s3, s7;
	s7 =	simm.s32 @!p0 $0x108  }
0x21: {  	s3 =	sadd.s32 s3, s9;
	s6 =	sadd.s32 @!p0 $0x88, s6;
	s7 =	simm.s32 @p2 $0x1082  }
0x22: {  	[simem:s7], [sflag:s8] =	dma.local @!p0 [hbm:s6], $0xF7A  }
0x23: {  	s9 =	sor.u32 $0xD0000000, s2;
	s6 =	simm.s32 $0x108;
	_ =	swait.ge @!p0 [sflag:s8], $0x0  }
0x24: {  	s3 =	sadd.s32 $0x88, s3;
	s6 =	simm.s32 @!p1 $0x1082;
	[sflag:s4] =	ssyncset.s32 $0xFFFFF086  }
0x25: {  	[simem:s6], [sflag:s4] =	dma.local [hbm:s3], $0xF7A  }
0x26: {  	[smem:$0x3F96] =	sst s1;
	(tag) =	ssettag s2;
	_ =	strace s9  }
0x27: {  	s1 =	sld [smem:$0x3FA6]  }
0x28: {  	s2 =	sld [smem:$0x3FA7]  }
0x29: {  	s4 =	sld [smem:$0x3FA9]  }
0x2a: {  	p0 =	seq.s32 s5, $0x0;
	s5 =	sld [smem:$0x3FAA]  }
0x2b: {  	s6 =	sld [smem:$0x3FAB]  }
0x2c: {  	s7 =	sld [smem:$0x3FAC]  }
0x2d: {  	s3 =	simm.s32 $0x108;
	s8 =	sld [smem:$0x3FAD]  }
0x2e: {  	s3 =	simm.s32 @!p0 $0x1082;
	s9 =	sld [smem:$0x3FAE]  }
0x2f: {  	lr =	sadd.s32 s0, s3;
	s0 =	sld [smem:$0x3FA5]  }
0x30: {  	s3 =	sld [smem:$0x3FA8]  }
0x31: {  	[smem:$0x3FB1] =	sst s10  }
0x32: {  	s10 =	sld [smem:$0x3FAF];
	_ =	sdelay $0x3  }
0x33: {  	p0 =	seq.s32 s10, $0x1;
	s10 =	sld [smem:$0x3FB1];
	_ =	sdelay $0x3  }
0x34: {  	[smem:$0x3FB1] =	sst s10  }
0x35: {  	s10 =	sld [smem:$0x3FB0];
	_ =	sdelay $0x3  }
0x36: {  	p1 =	seq.s32 s10, $0x1;
	s10 =	sld [smem:$0x3FB1];
	_ =	sdelay $0x3  }
0x37: {  	[smem:$0x3FB1] =	sst s10  }
0x38: {  	s10 =	sld [smem:$0x3FB2]  }
0x39: {  	_ = 	snop;
	(pc) =	sbr.ind lr, $3  }
0x3a: {  	_ = 	snop  }
0x3b: {  	_ = 	snop  }
0x3c: {  	p2 =	seq.s32 s10, $0x1;
	s10 =	sld [smem:$0x3FB1]  }
0x3d: {  	_ =	shalt  }
0x3e: {  	_ =	shalt  }
0x3f: {  	_ =	shalt  }
0x40: {  	_ =	shalt  }
0x41: {  	_ =	shalt  }
0x42: {  	_ =	shalt  }
0x43: {  	_ =	shalt  }
0x44: {  	_ =	shalt  }
0x45: {  	_ =	shalt  }
0x46: {  	_ =	shalt  }
0x47: {  	_ =	shalt  }
0x48: {  	_ =	shalt  }
0x49: {  	_ =	shalt  }
0x4a: {  	_ =	shalt  }
0x4b: {  	_ =	shalt  }
0x4c: {  	_ =	shalt  }
0x4d: {  	_ =	shalt  }
0x4e: {  	_ =	shalt  }
0x4f: {  	_ =	shalt  }
0x50: {  	_ =	shalt  }
0x51: {  	_ =	shalt  }
0x52: {  	_ =	shalt  }
0x53: {  	_ =	shalt  }
0x54: {  	_ =	shalt  }
0x55: {  	_ =	shalt  }
0x56: {  	_ =	shalt  }
0x57: {  	_ =	shalt  }
0x58: {  	_ =	shalt  }
0x59: {  	_ =	shalt  }
0x5a: {  	_ =	shalt  }
0x5b: {  	_ =	shalt  }
0x5c: {  	_ =	shalt  }
0x5d: {  	_ =	shalt  }
0x5e: {  	_ =	shalt  }
0x5f: {  	_ =	shalt  }
0x60: {  	_ =	shalt  }
0x61: {  	_ =	shalt  }
0x62: {  	_ =	shalt  }
0x63: {  	_ =	shalt  }
0x64: {  	_ =	shalt  }
0x65: {  	_ =	shalt  }
0x66: {  	_ =	shalt  }
0x67: {  	_ =	shalt  }
0x68: {  	_ =	shalt  }
0x69: {  	_ =	shalt  }
0x6a: {  	_ =	shalt  }
0x6b: {  	_ =	shalt  }
0x6c: {  	_ =	shalt  }
0x6d: {  	_ =	shalt  }
0x6e: {  	_ =	shalt  }
0x6f: {  	_ =	shalt  }
0x70: {  	_ =	shalt  }
0x71: {  	_ =	shalt  }
0x72: {  	_ =	shalt  }
0x73: {  	_ =	shalt  }
0x74: {  	_ =	shalt  }
0x75: {  	_ =	shalt  }
0x76: {  	_ =	shalt  }
0x77: {  	_ =	shalt  }
0x78: {  	_ =	shalt  }
0x79: {  	_ =	shalt  }
0x7a: {  	_ =	shalt  }
0x7b: {  	_ =	shalt  }
0x7c: {  	_ =	shalt  }
0x7d: {  	_ =	shalt  }
0x7e: {  	_ =	shalt  }
0x7f: {  	_ =	shalt  }
0x80: {  	_ =	shalt  }
0x81: {  	_ =	shalt  }
0x82: {  	_ =	shalt  }
0x83: {  	_ =	shalt  }
0x84: {  	_ =	shalt  }
0x85: {  	_ =	shalt  }
0x86: {  	_ =	shalt  }
0x87: {  	_ =	shalt  }
.Lfunc_end0:
.L_simem_size_0:
called_computation.1_lowered:
.L_overlay_start_0:
0x88: {  	s2 =	sld [smem:$0x3FD9]  }
0x89: {  	s3 =	sld [smem:$0x3FFE];
	_ =	sdelay $0x1  }
0x8a: {  	s1 =	srdreg.scid  }
0x8b: {  	s0 =	sand.u32 $0x1, s1  }
0x8c: {  	s16 =	sshll.u32 s0, $0xA;
	s2 =	sadd.s32 s3, s2  }
0x8d: {  	s2 =	sadd.s32 s2, s16  }
0x8e: {  	[smem:$0x3FBD] =	sst s2  }
0x8f: {  	_ = 	snop  }
0x90: {  	(tm) =	ssettm $0x1  }
0x91: {  	s17 =	sld [smem:$0x3FFB];
	_ =	sdelay $0x3  }
0x92: {  	_ =	strace s17  }
0x93: {  	s2 =	sld [smem:$0x3FFC];
	_ =	sdelay $0x3  }
0x94: {  	_ =	strace s2  }
0x95: {  	s2 =	sld [smem:$0x3FFD];
	_ =	sdelay $0x3  }
0x96: {  	_ =	strace s2  }
0x97: {  	_ =	strace $0x8FFFFFFF  }
0x98: {  	s18 =	sld [smem:$0x3FDB];
	_ =	sdelay $0x1  }
0x99: {  	s19 =	simm.s32 $_scs_section_size  }
0x9a: {  	s4 =	simm.s32 $_size__tile_overlayer_lowered;
	s5 =	simm.s32 $_tile_overlayer_lowered  }
0x9b: {  	s22 =	simm.s32 $0x1BFF;
	s21 =	sshll.u32 s5, $0x1;
	s2 =	sadd.s32 s19, s18  }
0x9c: {  	s6 =	simm.s32 $0x0;
	s20 =	sshll.u32 s4, $0x1;
	s4 =	sadd.s32 s21, s2  }
0x9d: {  	[timem:s6], [sflag:s22] =	dma.local [hbm:s4], s20  }
0x9e: {  	_ =	swait.ge [sflag:s22], s20  }
0x9f: {  	s3 =	ssub.s32 $0x0, s20;
	[sflag:s22] =	ssyncset.done $0x0  }
0xa0: {  	[sflag:s22] =	ssyncadd.s32 s3;
	_ =	sdelay $0x1  }
0xa1: {  	s23 =	simm.s32 $0x1B8B  }
0xa2: {  	_ =	swait.ge [sflag:s23], $0x1  }
0xa3: {  	[sflag:s23] =	ssyncset.done $0x0  }
0xa4: {  	s25 =	simm.s32 $0x1B8E;
	s24 =	sld [smem:$0x3FFE];
	[sflag:s23] =	ssyncadd.s32 $0xFFFFFFFF  }
0xa5: {  	s26 =	simm.s32 $execute0_lowered;
	[smem:$0x3FD2] =	sst s25  }
0xa6: {  	s4 =	sshll.u32 s26, $0x1;
	_ =	strace $0x80000049;
	[dreg:$0x1] =	wrdreg $0xFFFFFFFF  }
0xa7: {  	s28 =	simm.s32 $_size_execute0_lowered;
	s2 =	sadd.s32 s2, s4;
	[dreg:$0x0] =	wrdreg $0x0  }
0xa8: {  	s4 =	sshll.u32 s28, $0x1;
	[dreg:$0x2] =	wrdreg s2  }
0xa9: {  	[dreg:$0x3] =	wrdreg s4  }
0xaa: {  	[dreg:$0x4] =	wrdreg $0xC0  }
0xab: {  	_ =	task [dreg:s6], $0x5FFFF  }
0xac: {  	[dreg:$0x1] =	wrdreg $0xFFFFFFFF  }
0xad: {  	[dreg:$0x0] =	wrdreg $0x60  }
0xae: {  	[dreg:$0x2] =	wrdreg s24  }
0xaf: {  	[dreg:$0x3] =	wrdreg $0xB7800  }
0xb0: {  	[dreg:$0x4] =	wrdreg $0x9  }
0xb1: {  	_ =	task.clear_ibuf [dreg:s6], $0x5FFFF;
	_ =	strace $0x90000049  }
0xb2: {  	s29 =	simm.s32 $0x9;
	_ =	strace $0x8000004B  }
0xb3: {  	_ =	swait.ge [sflag:s29], $0x1  }
0xb4: {  	[sflag:s29] =	ssyncadd.s32 $0xFFFFFFFF  }
0xb5: {  	_ =	strace $0x9000004B  }
0xb6: {  	_ =	sfence  }
0xb7: {  	s30 =	sld [smem:$0x0];
	_ =	sdelay $0x2  }
0xb8: {  	s31 =	sshll.u32 s1, $0xD;
	s1 =	sshrl.u32 s1, $0x2  }
0xb9: {  	s3 =	sand.u32 $0x4000, s31;
	s1 =	sadd.s32 s1, s30  }
0xba: {  	s0 =	sor.u32 s3, s0;
	s1 =	sshll.u32 s1, $0x11  }
0xbb: {  	s0 =	sor.u32 s1, s0  }
0xbc: {  	s0 =	sadd.s32 $0x8F2B, s0  }
0xbd: {  	[sflag:s0] =	ssyncadd.remote.s32 $0x1  }
0xbe: {  	_ =	sfence.sel $0xFFFF  }
0xbf: {  	[dreg:$0x0] =	wrdreg $0xFFFFFFFF;
	(pc) =	sbr.abs _section_cstart, $3  }
0xc0: {  	[dreg:$0x1] =	wrdreg $0xFFFFFFFF  }
0xc1: {  	_ =	task.clear_ibuf [dreg:s6], $0x2FFFF;
	_ =	strace $0x9FFFFFFF  }
0xc2: {  	(tm) =	ssettm $0x7FFFFFFF  }
0xc3: {  	_ =	shalt  }
tec
execute0_lowered:
.L_overlay_start_1:
0x0: {  	(tag) =	ssettag $0x1  }
0x1: {  	s6 =	rddreg [dreg:$0x0]  }
0x2: {  	s0 =	srdreg.scid;
	s2 =	rddreg [dreg:$0x1]  }
0x3: {  	s3 =	simm.s32 $0x0;
	s14 =	simm.s32 $0x50;
	s15 =	simm.s32 $0x6780  }
0x4: {  	s16 =	simm.s32 $0x3;
	s17 =	simm.s32 $0x8F80;
	s18 =	simm.s32 $0x1  }
0x5: {  	s19 =	simm.s32 $0x2;
	s5 =	sand.u32 $0x1, s0;
	s0 =	stileid.u32  }
0x6: {  	s20 =	simm.s32 $0x6580;
	s22 =	simm.s32 $0x0;
	s8 =	smul.u32 $0x13C00, s0  }
0x7: {  	[smem:$0x7FF] =	sst s3;
	s1 =	sshll.u32 s5, $0x4;
	s10 =	smul.u32 $0x13C000, s5  }
0x8: {  	s28 =	smul.u32 $0x4F000, s0;
	s5 =	ssub.s32 $0x2, s5;
	s21 =	sshll.u32 s0, $0x6  }
0x9: {  	s4 =	sor.u32 s0, s1;
	s1 =	rddreg [dreg:$0x2];
	_ =	strace $0x8000004A  }
0xa: {  	s29 =	sshrl.u32 s5, $0x1;
	s7 =	smul.u32 $0x4E2, s4;
	s9 =	sshll.u32 s4, $0xB  }
0xb: {  	s4 =	sadd.s32 $0x1DE00, s6;
	s11 =	sshrl.u32 s8, $0x3;
	s8 =	sadd.s32 s8, s10  }
0xc: {  	s30 =	sshrl.u32 s28, $0x2;
	s31 =	ssub.s32 s5, s29;
	s9 =	sadd.s32 s9, s6  }
0xd: {  	s11 =	sadd.s32 s11, s6;
	s8 =	sshrl.u32 s8, $0x3;
	s13 =	sadd.s32 s30, s2  }
0xe: {  	s10 =	smax.u32 s31, $0x1;
	s7 =	sadd.s32 s7, s6;
	s12 =	sadd.s32 s8, s6  }
0xf: {  	s5 =	sadd.s32 $0x45600, s11;
	s6 =	sor.u32 $0x1C03, s21;
	s8 =	sadd.s32 $0xDE00, s9  }
0x10: {  	s11 =	sshrl.u32 s13, $0x3;
	s13 =	simm.s32 $0x2780;
	s21 =	sor.u32 $0x1C04, s21  }
0x11: {  	s7 =	sadd.s32 $0x4000, s7;
	s9 =	sadd.s32 $0x6CE00, s12;
	s12 =	simm.s32 $0x4  }
.LBB2_1:
0x12: {  	[spmem:s11], [sflag:s6] =	dma.local [hbm:s5], $0x2780  }
0x13: {  	[tilespmem:s3], [sflag:$0x4] =	stream.linear.gather [hbm4b:s7+s3], $0x2710, $0x38;
	[tilespmem:$0x1F380] =	vst v63  }
0x14: {  	_ =	swait.ge [sflag:s12], $0x2710  }
0x15: {  	[sflag:s12] =	ssyncset.done $0x0  }
0x16: {  	[sflag:s12] =	ssyncadd.s32 $0xFFFFD8F0  }
0x17: {  	[tilespmem:s13], [sflag:$0x4] =	stream.linear.gather [hbm4b:s8+s3], $0x3E80, $0x38;
	[tilespmem:$0x1F380] =	vst v63  }
0x18: {  	_ =	swait.ge [sflag:s12], $0x3E80  }
0x19: {  	[sflag:s12] =	ssyncset.done $0x0  }
0x1a: {  	[sflag:s12] =	ssyncadd.s32 $0xFFFFC180  }
0x1b: {  	[tilespmem:s15], [sflag:$0x1] =	stream.indirect.gather [hbm4b:s4+s14], $0x80, s3, s14, $0xb8;
	[tilespmem:$0x1F380] =	vst v63  }
0x1c: {  	_ =	swait.ge [sflag:s16], $0x2780  }
0x1d: {  	[sflag:s16] =	ssyncset.done $0x0  }
0x1e: {  	[sflag:s16] =	ssyncadd.s32 $0xFFFFD880  }
0x1f: {  	s23 =	simm.s32 $0x50;
	[bflag:$0x0] =	sbarrier.arrive $0xFFFF  }
0x20: {  	[tilespmem:s17], [sflag:$0x2] =	stream.indirect.gather [hbm4b:s4+s14], $0x80, s23, s14, $0xb8;
	[tilespmem:$0x1F380] =	vst v63  }
0x21: {  	_ =	swait.ge [sflag:s18], $0x2800  }
0x22: {  	[sflag:s18] =	ssyncset.done $0x0  }
0x23: {  	s29 =	simm.s32 $0x2780;
	[sflag:s18] =	ssyncadd.s32 $0xFFFFD800  }
0x24: {  	[spmem:s2] =	stream.indirect.scatter.add.f32 [tilespmem:s15], [sflag:$0x4], $0x80, s29, s14, $0xb8;
	[tilespmem:$0x1F380] =	vst v63  }
0x25: {  	_ =	swait.ge [sflag:s12], $0x2800  }
0x26: {  	[sflag:s12] =	ssyncset.done $0x0  }
0x27: {  	s30 =	simm.s32 $0xA0;
	[sflag:s12] =	ssyncadd.s32 $0xFFFFD800  }
0x28: {  	[tilespmem:s15], [sflag:$0x1] =	stream.indirect.gather [hbm4b:s4+s14], $0x80, s30, s14, $0xb8;
	[tilespmem:$0x1F380] =	vst v63  }
0x29: {  	_ =	swait.ge [sflag:s19], $0x2800  }
0x2a: {  	[sflag:s19] =	ssyncset.done $0x0  }
0x2b: {  	s31 =	simm.s32 $0x2800;
	[sflag:s19] =	ssyncadd.s32 $0xFFFFD800  }
0x2c: {  	[spmem:s2] =	stream.indirect.scatter.add.f32 [tilespmem:s17], [sflag:$0x4], $0x80, s31, s14, $0xb8;
	[tilespmem:$0x1F380] =	vst v63  }
0x2d: {  	s24 =	simm.s32 $0x400;
	_ =	swait.ge [sflag:s12], $0x2800  }
0x2e: {  	s25 =	simm.s32 $0x800;
	s23 =	simm.s32 $0x140;
	[sflag:s12] =	ssyncset.done $0x0  }
.LBB2_2:
0x2f: {  	p0 =	sne.s32 s25, $0xF400;
	s26 =	sadd.s32 $0xFFFFFFB0, s23;
	[sflag:s12] =	ssyncadd.s32 $0xFFFFD800  }
0x30: {  	[tilespmem:s17], [sflag:$0x2] =	stream.indirect.gather [hbm4b:s4+s14], $0x80, s26, s14, $0xb8;
	[tilespmem:$0x1F380] =	vst v63  }
0x31: {  	s26 =	smov.u32 s25;
	s25 =	sadd.s32 $0x400, s25;
	_ =	swait.ge [sflag:s18], $0x2800  }
0x32: {  	s28 =	sshra.s32 s24, $0x2;
	s24 =	smov.u32 s26;
	[sflag:s18] =	ssyncset.done $0x0  }
0x33: {  	s26 =	sadd.s32 $0x2780, s28;
	[sflag:s18] =	ssyncadd.s32 $0xFFFFD800  }
0x34: {  	[spmem:s2] =	stream.indirect.scatter.add.f32 [tilespmem:s15], [sflag:$0x4], $0x80, s26, s14, $0xb8;
	[tilespmem:$0x1F380] =	vst v63  }
0x35: {  	_ =	swait.ge [sflag:s12], $0x2800  }
0x36: {  	[sflag:s12] =	ssyncset.done $0x0  }
0x37: {  	[sflag:s12] =	ssyncadd.s32 $0xFFFFD800  }
0x38: {  	[tilespmem:s15], [sflag:$0x1] =	stream.indirect.gather [hbm4b:s4+s14], $0x80, s23, s14, $0xb8;
	[tilespmem:$0x1F380] =	vst v63  }
0x39: {  	_ =	swait.ge [sflag:s19], $0x2800  }
.Ltmp0:
0x3a: {  	[sflag:s19] =	ssyncset.done $0x0;
	(pc) =	sbr.rel @p0 .LBB2_2-.Ltmp0, $4  }
0x3b: {  	s26 =	sadd.s32 $0x2800, s28;
	[sflag:s19] =	ssyncadd.s32 $0xFFFFD800  }
0x3c: {  	[spmem:s2] =	stream.indirect.scatter.add.f32 [tilespmem:s17], [sflag:$0x4], $0x80, s26, s14, $0xb8;
	[tilespmem:$0x1F380] =	vst v63  }
0x3d: {  	_ =	swait.ge [sflag:s12], $0x2800  }
0x3e: {  	s23 =	sadd.s32 $0xA0, s23;
	[sflag:s12] =	ssyncset.done $0x0  }
0x3f: {  	s25 =	sadd.s32 $0xFFFFFFB0, s23;
	[sflag:s12] =	ssyncadd.s32 $0xFFFFD800  }
0x40: {  	[tilespmem:s17], [sflag:$0x2] =	stream.indirect.gather [hbm4b:s4+s14], $0x80, s25, s14, $0xb8;
	[tilespmem:$0x1F380] =	vst v63  }
0x41: {  	_ =	swait.ge [sflag:s18], $0x2800  }
0x42: {  	s24 =	sshra.s32 s24, $0x2;
	[sflag:s18] =	ssyncset.done $0x0  }
0x43: {  	s30 =	sadd.s32 $0x2780, s24;
	[sflag:s18] =	ssyncadd.s32 $0xFFFFD800  }
0x44: {  	[spmem:s2] =	stream.indirect.scatter.add.f32 [tilespmem:s15], [sflag:$0x4], $0x80, s30, s14, $0xb8;
	[tilespmem:$0x1F380] =	vst v63  }
0x45: {  	_ =	swait.ge [sflag:s12], $0x2800  }
0x46: {  	[sflag:s12] =	ssyncset.done $0x0  }
0x47: {  	[sflag:s12] =	ssyncadd.s32 $0xFFFFD800  }
0x48: {  	[tilespmem:s15], [sflag:$0x1] =	stream.indirect.gather [hbm4b:s4+s14], $0x80, s23, s14, $0xb8;
	[tilespmem:$0x1F380] =	vst v63  }
0x49: {  	_ =	swait.ge [sflag:s19], $0x2800  }
0x4a: {  	[sflag:s19] =	ssyncset.done $0x0  }
0x4b: {  	s31 =	sadd.s32 $0x2800, s24;
	[sflag:s19] =	ssyncadd.s32 $0xFFFFD800  }
0x4c: {  	[spmem:s2] =	stream.indirect.scatter.add.f32 [tilespmem:s17], [sflag:$0x4], $0x80, s31, s14, $0xb8;
	[tilespmem:$0x1F380] =	vst v63  }
0x4d: {  	_ =	swait.ge [sflag:s12], $0x2800  }
0x4e: {  	[sflag:s12] =	ssyncset.done $0x0  }
0x4f: {  	[sflag:s12] =	ssyncadd.s32 $0xFFFFD800  }
0x50: {  	_ =	swait.ge [sflag:s18], $0x2800  }
0x51: {  	[sflag:s18] =	ssyncset.done $0x0  }
0x52: {  	[sflag:s18] =	ssyncadd.s32 $0xFFFFD800  }
0x53: {  	[spmem:s2] =	stream.indirect.scatter.add.f32 [tilespmem:s15], [sflag:$0x4], $0x80, s20, s14, $0xb8;
	[tilespmem:$0x1F380] =	vst v63  }
0x54: {  	_ =	swait.ge [sflag:s12], $0x2800  }
0x55: {  	s22 =	sadd.s32 $0x1, s22;
	[sflag:s12] =	ssyncset.done $0x0  }
0x56: {  	p0 =	sne.s32 s22, s10;
	[sflag:s12] =	ssyncadd.s32 $0xFFFFD800  }
.Ltmp1:
0x57: {  	[bflag:$0x0] =	sbarrier.arrive $0xFFFF;
	(pc) =	sbr.rel @p0 .LBB2_1-.Ltmp1, $4  }
0x58: {  	[hbm:s9], [sflag:s21] =	dma.local [spmem:s11], $0x2780  }
0x59: {  	_ =	swait.ge [sflag:s12], $0x2780  }
0x5a: {  	[sflag:s12] =	ssyncset.done $0x0  }
0x5b: {  	[sflag:s12] =	ssyncadd.s32 $0xFFFFD880  }
0x5c: {  	_ =	sfence.sel $0x180000  }
0x5d: {  	[bflag:$0x0] =	sbarrier.arrive $0xFFFF  }
0x5e: {  	p0 =	sne.s32 s0, $0x0;
	_ =	strace $0x9000004A  }
0x5f: {  	s0 =	sadd.s32 @!p0 $0x100000, s1;
	[bflag:$0x2] =	sbarrier.arrive $0xFFFF  }
0x60: {  	[sflag:s0] =	ssyncadd.tile.s32 @!p0 $0x1;
	_ =	shalt  }
.Lfunc_end2:
_tile_overlayer_lowered:
.L_overlay_start_2:
0x61: {  	(tag) =	ssettag $0x2  }
0x62: {  	s0 =	rddreg [dreg:$0x0];
	s2 =	stileid.u32  }
0x63: {  	s1 =	rddreg [dreg:$0x1];
	p0 =	sne.s32 s2, $0x0  }
0x64: {  	s3 =	rddreg [dreg:$0x2];
	[bflag:$0x3] =	sbarrier.arrive $0xFFFF;
	s2 =	simm.s32 @!p0 $0x1C04  }
0x65: {  	[timem:s3], [sflag:s2] =	dma.local @!p0 [hbm:s0], s1  }
0x66: {  	s0 =	simm.s32 @!p0 $0x4  }
0x67: {  	_ =	swait.ge @!p0 [sflag:s0], s1  }
0x68: {  	s1 =	ssub.s32 @!p0 $0x0, s1;
	[sflag:s0] =	ssyncset.done @!p0 $0x0  }
0x69: {  	[sflag:s0] =	ssyncadd.s32 @!p0 s1  }
0x6a: {  	[bflag:$0x3] =	sbarrier.arrive $0xFFFF  }
0x6b: {  	_ =	shalt  }

// kernel: kernel.19.cloned.1.call-start
scs
__scs_entry_jumppad:
0x0: {  	(pc) =	sbr.rel $0x88, $3  }
0x1: {  	(tag) =	ssettag $0x0;
	lr =	simm.s32 $0x1  }
0x2: {  	[smem:$0x3F96] =	sst lr;
	_ =	strace $0xD0000000  }
0x3: {  	_ = 	snop  }
0x4: {  	_ = 	snop  }
0x5: {  	_ = 	snop  }
0x6: {  	_ = 	snop  }
0x7: {  	_ = 	snop  }
__scs_overlays_trampoline_lowered:
0x8: {  	[smem:$0x3FA5] =	sst s0  }
0x9: {  	[smem:$0x3FA6] =	sst s1  }
0xa: {  	[smem:$0x3FA7] =	sst s2  }
0xb: {  	[smem:$0x3FA8] =	sst s3  }
0xc: {  	[smem:$0x3FA9] =	sst s4  }
0xd: {  	[smem:$0x3FAA] =	sst s5  }
0xe: {  	[smem:$0x3FAB] =	sst s6  }
0xf: {  	[smem:$0x3FAC] =	sst s7  }
0x10: {  	[smem:$0x3FAD] =	sst s8  }
0x11: {  	[smem:$0x3FAE] =	sst s9;
	s0 =	simm.s32 @!p0 $0x0  }
0x12: {  	s1 =	sld [smem:$0x3F94];
	s0 =	simm.s32 @p0 $0x1  }
0x13: {  	[smem:$0x3FAF] =	sst s0;
	s0 =	simm.s32 @!p1 $0x0  }
0x14: {  	s2 =	sld [smem:$0x3F93];
	s0 =	simm.s32 @p1 $0x1  }
0x15: {  	[smem:$0x3FB0] =	sst s0;
	s0 =	simm.s32 @!p2 $0x0  }
0x16: {  	s3 =	sld [smem:$0x3FDB];
	s0 =	simm.s32 @p2 $0x1  }
0x17: {  	s4 =	simm.s32 $0x1BF5;
	[smem:$0x3FB2] =	sst s0  }
0x18: {  	s0 =	sld [smem:$0x3F95];
	_ =	swait.ge [sflag:s4], $0x0  }
0x19: {  	s7 =	sld [smem:$0x3F96]  }
0x1a: {  	s8 =	sadd.s32 $0xFFFFE003, lr  }
0x1b: {  	s9 =	sadd.s32 $0xFFFFFEF7, lr;
	s5 =	simm.s32 $0xFFFFFFFF;
	p2 =	slt.u32 s8, $0xFFFFF086  }
0x1c: {  	p1 =	slt.u32 s9, $0xF7A;
	s5 =	simm.s32 @!p2 $0x0  }
0x1d: {  	s5 =	simm.s32 @p1 $0x1;
	p0 =	seq.s32 s7, s2  }
0x1e: {  	s7 =	smul.u32 @!p0 $0xF7A, s2;
	p2 =	seq.s32 @!p0 s5, $0x0  }
0x1f: {  	s9 =	smul.u32 $0xF7A, s1;
	s8 =	simm.s32 @!p0 $0x1BF5;
	p2 =	por !p2, p0  }
0x20: {  	[sflag:s8] =	ssyncset.s32 @!p0 $0xFFFFF086;
	s6 =	sadd.s32 @!p0 s3, s7;
	s7 =	simm.s32 @!p0 $0x108  }
0x21: {  	s3 =	sadd.s32 s3, s9;
	s6 =	sadd.s32 @!p0 $0x88, s6;
	s7 =	simm.s32 @p2 $0x1082  }
0x22: {  	[simem:s7], [sflag:s8] =	dma.local @!p0 [hbm:s6], $0xF7A  }
0x23: {  	s9 =	sor.u32 $0xD0000000, s2;
	s6 =	simm.s32 $0x108;
	_ =	swait.ge @!p0 [sflag:s8], $0x0  }
0x24: {  	s3 =	sadd.s32 $0x88, s3;
	s6 =	simm.s32 @!p1 $0x1082;
	[sflag:s4] =	ssyncset.s32 $0xFFFFF086  }
0x25: {  	[simem:s6], [sflag:s4] =	dma.local [hbm:s3], $0xF7A  }
0x26: {  	[smem:$0x3F96] =	sst s1;
	(tag) =	ssettag s2;
	_ =	strace s9  }
0x27: {  	s1 =	sld [smem:$0x3FA6]  }
0x28: {  	s2 =	sld [smem:$0x3FA7]  }
0x29: {  	s4 =	sld [smem:$0x3FA9]  }
0x2a: {  	p0 =	seq.s32 s5, $0x0;
	s5 =	sld [smem:$0x3FAA]  }
0x2b: {  	s6 =	sld [smem:$0x3FAB]  }
0x2c: {  	s7 =	sld [smem:$0x3FAC]  }
0x2d: {  	s3 =	simm.s32 $0x108;
	s8 =	sld [smem:$0x3FAD]  }
0x2e: {  	s3 =	simm.s32 @!p0 $0x1082;
	s9 =	sld [smem:$0x3FAE]  }
0x2f: {  	lr =	sadd.s32 s0, s3;
	s0 =	sld [smem:$0x3FA5]  }
0x30: {  	s3 =	sld [smem:$0x3FA8]  }
0x31: {  	[smem:$0x3FB1] =	sst s10  }
0x32: {  	s10 =	sld [smem:$0x3FAF];
	_ =	sdelay $0x3  }
0x33: {  	p0 =	seq.s32 s10, $0x1;
	s10 =	sld [smem:$0x3FB1];
	_ =	sdelay $0x3  }
0x34: {  	[smem:$0x3FB1] =	sst s10  }
0x35: {  	s10 =	sld [smem:$0x3FB0];
	_ =	sdelay $0x3  }
0x36: {  	p1 =	seq.s32 s10, $0x1;
	s10 =	sld [smem:$0x3FB1];
	_ =	sdelay $0x3  }
0x37: {  	[smem:$0x3FB1] =	sst s10  }
0x38: {  	s10 =	sld [smem:$0x3FB2]  }
0x39: {  	_ = 	snop;
	(pc) =	sbr.ind lr, $3  }
0x3a: {  	_ = 	snop  }
0x3b: {  	_ = 	snop  }
0x3c: {  	p2 =	seq.s32 s10, $0x1;
	s10 =	sld [smem:$0x3FB1]  }
0x3d: {  	_ =	shalt  }
0x3e: {  	_ =	shalt  }
0x3f: {  	_ =	shalt  }
0x40: {  	_ =	shalt  }
0x41: {  	_ =	shalt  }
0x42: {  	_ =	shalt  }
0x43: {  	_ =	shalt  }
0x44: {  	_ =	shalt  }
0x45: {  	_ =	shalt  }
0x46: {  	_ =	shalt  }
0x47: {  	_ =	shalt  }
0x48: {  	_ =	shalt  }
0x49: {  	_ =	shalt  }
0x4a: {  	_ =	shalt  }
0x4b: {  	_ =	shalt  }
0x4c: {  	_ =	shalt  }
0x4d: {  	_ =	shalt  }
0x4e: {  	_ =	shalt  }
0x4f: {  	_ =	shalt  }
0x50: {  	_ =	shalt  }
0x51: {  	_ =	shalt  }
0x52: {  	_ =	shalt  }
0x53: {  	_ =	shalt  }
0x54: {  	_ =	shalt  }
0x55: {  	_ =	shalt  }
0x56: {  	_ =	shalt  }
0x57: {  	_ =	shalt  }
0x58: {  	_ =	shalt  }
0x59: {  	_ =	shalt  }
0x5a: {  	_ =	shalt  }
0x5b: {  	_ =	shalt  }
0x5c: {  	_ =	shalt  }
0x5d: {  	_ =	shalt  }
0x5e: {  	_ =	shalt  }
0x5f: {  	_ =	shalt  }
0x60: {  	_ =	shalt  }
0x61: {  	_ =	shalt  }
0x62: {  	_ =	shalt  }
0x63: {  	_ =	shalt  }
0x64: {  	_ =	shalt  }
0x65: {  	_ =	shalt  }
0x66: {  	_ =	shalt  }
0x67: {  	_ =	shalt  }
0x68: {  	_ =	shalt  }
0x69: {  	_ =	shalt  }
0x6a: {  	_ =	shalt  }
0x6b: {  	_ =	shalt  }
0x6c: {  	_ =	shalt  }
0x6d: {  	_ =	shalt  }
0x6e: {  	_ =	shalt  }
0x6f: {  	_ =	shalt  }
0x70: {  	_ =	shalt  }
0x71: {  	_ =	shalt  }
0x72: {  	_ =	shalt  }
0x73: {  	_ =	shalt  }
0x74: {  	_ =	shalt  }
0x75: {  	_ =	shalt  }
0x76: {  	_ =	shalt  }
0x77: {  	_ =	shalt  }
0x78: {  	_ =	shalt  }
0x79: {  	_ =	shalt  }
0x7a: {  	_ =	shalt  }
0x7b: {  	_ =	shalt  }
0x7c: {  	_ =	shalt  }
0x7d: {  	_ =	shalt  }
0x7e: {  	_ =	shalt  }
0x7f: {  	_ =	shalt  }
0x80: {  	_ =	shalt  }
0x81: {  	_ =	shalt  }
0x82: {  	_ =	shalt  }
0x83: {  	_ =	shalt  }
0x84: {  	_ =	shalt  }
0x85: {  	_ =	shalt  }
0x86: {  	_ =	shalt  }
0x87: {  	_ =	shalt  }
.Lfunc_end0:
.L_simem_size_0:
called_computation.2_lowered:
.L_overlay_start_0:
0x88: {  	s2 =	sld [smem:$0x3FD9]  }
0x89: {  	s3 =	sld [smem:$0x3FFE];
	_ =	sdelay $0x1  }
0x8a: {  	s1 =	srdreg.scid  }
0x8b: {  	s0 =	sand.u32 $0x1, s1  }
0x8c: {  	s16 =	sshll.u32 s0, $0xA;
	s2 =	sadd.s32 s3, s2  }
0x8d: {  	s2 =	sadd.s32 s2, s16  }
0x8e: {  	[smem:$0x3FBD] =	sst s2  }
0x8f: {  	_ = 	snop  }
0x90: {  	(tm) =	ssettm $0x1  }
0x91: {  	s17 =	sld [smem:$0x3FFB];
	_ =	sdelay $0x3  }
0x92: {  	_ =	strace s17  }
0x93: {  	s2 =	sld [smem:$0x3FFC];
	_ =	sdelay $0x3  }
0x94: {  	_ =	strace s2  }
0x95: {  	s2 =	sld [smem:$0x3FFD];
	_ =	sdelay $0x3  }
0x96: {  	_ =	strace s2  }
0x97: {  	_ =	strace $0x8FFFFFFF  }
0x98: {  	s18 =	sld [smem:$0x3FDB];
	_ =	sdelay $0x1  }
0x99: {  	s19 =	simm.s32 $_scs_section_size  }
0x9a: {  	s4 =	simm.s32 $_size__tile_overlayer_lowered;
	s5 =	simm.s32 $_tile_overlayer_lowered  }
0x9b: {  	s22 =	simm.s32 $0x1BFF;
	s21 =	sshll.u32 s5, $0x1;
	s2 =	sadd.s32 s19, s18  }
0x9c: {  	s6 =	simm.s32 $0x0;
	s20 =	sshll.u32 s4, $0x1;
	s4 =	sadd.s32 s21, s2  }
0x9d: {  	[timem:s6], [sflag:s22] =	dma.local [hbm:s4], s20  }
0x9e: {  	_ =	swait.ge [sflag:s22], s20  }
0x9f: {  	s3 =	ssub.s32 $0x0, s20;
	[sflag:s22] =	ssyncset.done $0x0  }
0xa0: {  	[sflag:s22] =	ssyncadd.s32 s3;
	_ =	sdelay $0x1  }
0xa1: {  	s23 =	simm.s32 $0x1B8B  }
0xa2: {  	_ =	swait.ge [sflag:s23], $0x1  }
0xa3: {  	[sflag:s23] =	ssyncset.done $0x0  }
0xa4: {  	s25 =	simm.s32 $0x1B8E;
	s24 =	sld [smem:$0x3FFE];
	[sflag:s23] =	ssyncadd.s32 $0xFFFFFFFF  }
0xa5: {  	s26 =	simm.s32 $execute0_lowered;
	[smem:$0x3FD2] =	sst s25  }
0xa6: {  	s4 =	sshll.u32 s26, $0x1;
	_ =	strace $0x8000004C;
	[dreg:$0x1] =	wrdreg $0xFFFFFFFF  }
0xa7: {  	s28 =	simm.s32 $_size_execute0_lowered;
	s2 =	sadd.s32 s2, s4;
	[dreg:$0x0] =	wrdreg $0x0  }
0xa8: {  	s4 =	sshll.u32 s28, $0x1;
	[dreg:$0x2] =	wrdreg s2  }
0xa9: {  	[dreg:$0x3] =	wrdreg s4  }
0xaa: {  	[dreg:$0x4] =	wrdreg $0xC0  }
0xab: {  	_ =	task [dreg:s6], $0x5FFFF  }
0xac: {  	[dreg:$0x1] =	wrdreg $0xFFFFFFFF  }
0xad: {  	[dreg:$0x0] =	wrdreg $0x60  }
0xae: {  	[dreg:$0x2] =	wrdreg s24  }
0xaf: {  	[dreg:$0x3] =	wrdreg $0xB7800  }
0xb0: {  	[dreg:$0x4] =	wrdreg $0x9  }
0xb1: {  	_ =	task.clear_ibuf [dreg:s6], $0x5FFFF;
	_ =	strace $0x9000004C  }
0xb2: {  	s29 =	simm.s32 $0x9;
	_ =	strace $0x8000004E  }
0xb3: {  	_ =	swait.ge [sflag:s29], $0x1  }
0xb4: {  	[sflag:s29] =	ssyncadd.s32 $0xFFFFFFFF  }
0xb5: {  	_ =	strace $0x9000004E  }
0xb6: {  	_ =	sfence  }
0xb7: {  	s30 =	sld [smem:$0x0];
	_ =	sdelay $0x2  }
0xb8: {  	s31 =	sshll.u32 s1, $0xD;
	s1 =	sshrl.u32 s1, $0x2  }
0xb9: {  	s3 =	sand.u32 $0x4000, s31;
	s1 =	sadd.s32 s1, s30  }
0xba: {  	s0 =	sor.u32 s3, s0;
	s1 =	sshll.u32 s1, $0x11  }
0xbb: {  	s0 =	sor.u32 s1, s0  }
0xbc: {  	s0 =	sadd.s32 $0x8F2B, s0  }
0xbd: {  	[sflag:s0] =	ssyncadd.remote.s32 $0x1  }
0xbe: {  	_ =	sfence.sel $0xFFFF  }
0xbf: {  	[dreg:$0x0] =	wrdreg $0xFFFFFFFF;
	(pc) =	sbr.abs _section_cstart, $3  }
0xc0: {  	[dreg:$0x1] =	wrdreg $0xFFFFFFFF  }
0xc1: {  	_ =	task.clear_ibuf [dreg:s6], $0x2FFFF;
	_ =	strace $0x9FFFFFFF  }
0xc2: {  	(tm) =	ssettm $0x7FFFFFFF  }
0xc3: {  	_ =	shalt  }
tec
execute0_lowered:
.L_overlay_start_1:
0x0: {  	(tag) =	ssettag $0x1  }
0x1: {  	s6 =	rddreg [dreg:$0x0]  }
0x2: {  	s0 =	srdreg.scid;
	s2 =	rddreg [dreg:$0x1]  }
0x3: {  	s3 =	simm.s32 $0x0;
	s14 =	simm.s32 $0x50;
	s15 =	simm.s32 $0x6780  }
0x4: {  	s16 =	simm.s32 $0x3;
	s17 =	simm.s32 $0x8F80;
	s18 =	simm.s32 $0x1  }
0x5: {  	s19 =	simm.s32 $0x2;
	s5 =	sand.u32 $0x1, s0;
	s0 =	stileid.u32  }
0x6: {  	s20 =	simm.s32 $0x6580;
	s22 =	simm.s32 $0x0;
	s8 =	smul.u32 $0x13C00, s0  }
0x7: {  	[smem:$0x7FF] =	sst s3;
	s1 =	sshll.u32 s5, $0x4;
	s10 =	smul.u32 $0x13C000, s5  }
0x8: {  	s28 =	smul.u32 $0x4F000, s0;
	s5 =	ssub.s32 $0x2, s5;
	s21 =	sshll.u32 s0, $0x6  }
0x9: {  	s4 =	sor.u32 s0, s1;
	s1 =	rddreg [dreg:$0x2];
	_ =	strace $0x8000004D  }
0xa: {  	s29 =	sshrl.u32 s5, $0x1;
	s7 =	smul.u32 $0x4E2, s4;
	s9 =	sshll.u32 s4, $0xB  }
0xb: {  	s4 =	sadd.s32 $0x1DE00, s6;
	s11 =	sshrl.u32 s8, $0x3;
	s8 =	sadd.s32 s8, s10  }
0xc: {  	s30 =	sshrl.u32 s28, $0x2;
	s31 =	ssub.s32 s5, s29;
	s9 =	sadd.s32 s9, s6  }
0xd: {  	s11 =	sadd.s32 s11, s6;
	s8 =	sshrl.u32 s8, $0x3;
	s13 =	sadd.s32 s30, s2  }
0xe: {  	s10 =	smax.u32 s31, $0x1;
	s7 =	sadd.s32 s7, s6;
	s12 =	sadd.s32 s8, s6  }
0xf: {  	s5 =	sadd.s32 $0x45600, s11;
	s6 =	sor.u32 $0x1C03, s21;
	s8 =	sadd.s32 $0xDE00, s9  }
0x10: {  	s11 =	sshrl.u32 s13, $0x3;
	s13 =	simm.s32 $0x2780;
	s21 =	sor.u32 $0x1C04, s21  }
0x11: {  	s7 =	sadd.s32 $0x4000, s7;
	s9 =	sadd.s32 $0x6CE00, s12;
	s12 =	simm.s32 $0x4  }
.LBB2_1:
0x12: {  	[spmem:s11], [sflag:s6] =	dma.local [hbm:s5], $0x2780  }
0x13: {  	[tilespmem:s3], [sflag:$0x4] =	stream.linear.gather [hbm4b:s7+s3], $0x2710, $0x38;
	[tilespmem:$0x1F380] =	vst v63  }
0x14: {  	_ =	swait.ge [sflag:s12], $0x2710  }
0x15: {  	[sflag:s12] =	ssyncset.done $0x0  }
0x16: {  	[sflag:s12] =	ssyncadd.s32 $0xFFFFD8F0  }
0x17: {  	[tilespmem:s13], [sflag:$0x4] =	stream.linear.gather [hbm4b:s8+s3], $0x3E80, $0x38;
	[tilespmem:$0x1F380] =	vst v63  }
0x18: {  	_ =	swait.ge [sflag:s12], $0x3E80  }
0x19: {  	[sflag:s12] =	ssyncset.done $0x0  }
0x1a: {  	[sflag:s12] =	ssyncadd.s32 $0xFFFFC180  }
0x1b: {  	[tilespmem:s15], [sflag:$0x1] =	stream.indirect.gather [hbm4b:s4+s14], $0x80, s3, s14, $0xb8;
	[tilespmem:$0x1F380] =	vst v63  }
0x1c: {  	_ =	swait.ge [sflag:s16], $0x2780  }
0x1d: {  	[sflag:s16] =	ssyncset.done $0x0  }
0x1e: {  	[sflag:s16] =	ssyncadd.s32 $0xFFFFD880  }
0x1f: {  	s23 =	simm.s32 $0x50;
	[bflag:$0x0] =	sbarrier.arrive $0xFFFF  }
0x20: {  	[tilespmem:s17], [sflag:$0x2] =	stream.indirect.gather [hbm4b:s4+s14], $0x80, s23, s14, $0xb8;
	[tilespmem:$0x1F380] =	vst v63  }
0x21: {  	_ =	swait.ge [sflag:s18], $0x2800  }
0x22: {  	[sflag:s18] =	ssyncset.done $0x0  }
0x23: {  	s29 =	simm.s32 $0x2780;
	[sflag:s18] =	ssyncadd.s32 $0xFFFFD800  }
0x24: {  	[spmem:s2] =	stream.indirect.scatter.add.f32 [tilespmem:s15], [sflag:$0x4], $0x80, s29, s14, $0xb8;
	[tilespmem:$0x1F380] =	vst v63  }
0x25: {  	_ =	swait.ge [sflag:s12], $0x2800  }
0x26: {  	[sflag:s12] =	ssyncset.done $0x0  }
0x27: {  	s30 =	simm.s32 $0xA0;
	[sflag:s12] =	ssyncadd.s32 $0xFFFFD800  }
0x28: {  	[tilespmem:s15], [sflag:$0x1] =	stream.indirect.gather [hbm4b:s4+s14], $0x80, s30, s14, $0xb8;
	[tilespmem:$0x1F380] =	vst v63  }
0x29: {  	_ =	swait.ge [sflag:s19], $0x2800  }
0x2a: {  	[sflag:s19] =	ssyncset.done $0x0  }
0x2b: {  	s31 =	simm.s32 $0x2800;
	[sflag:s19] =	ssyncadd.s32 $0xFFFFD800  }
0x2c: {  	[spmem:s2] =	stream.indirect.scatter.add.f32 [tilespmem:s17], [sflag:$0x4], $0x80, s31, s14, $0xb8;
	[tilespmem:$0x1F380] =	vst v63  }
0x2d: {  	s24 =	simm.s32 $0x400;
	_ =	swait.ge [sflag:s12], $0x2800  }
0x2e: {  	s25 =	simm.s32 $0x800;
	s23 =	simm.s32 $0x140;
	[sflag:s12] =	ssyncset.done $0x0  }
.LBB2_2:
0x2f: {  	p0 =	sne.s32 s25, $0xF400;
	s26 =	sadd.s32 $0xFFFFFFB0, s23;
	[sflag:s12] =	ssyncadd.s32 $0xFFFFD800  }
0x30: {  	[tilespmem:s17], [sflag:$0x2] =	stream.indirect.gather [hbm4b:s4+s14], $0x80, s26, s14, $0xb8;
	[tilespmem:$0x1F380] =	vst v63  }
0x31: {  	s26 =	smov.u32 s25;
	s25 =	sadd.s32 $0x400, s25;
	_ =	swait.ge [sflag:s18], $0x2800  }
0x32: {  	s28 =	sshra.s32 s24, $0x2;
	s24 =	smov.u32 s26;
	[sflag:s18] =	ssyncset.done $0x0  }
0x33: {  	s26 =	sadd.s32 $0x2780, s28;
	[sflag:s18] =	ssyncadd.s32 $0xFFFFD800  }
0x34: {  	[spmem:s2] =	stream.indirect.scatter.add.f32 [tilespmem:s15], [sflag:$0x4], $0x80, s26, s14, $0xb8;
	[tilespmem:$0x1F380] =	vst v63  }
0x35: {  	_ =	swait.ge [sflag:s12], $0x2800  }
0x36: {  	[sflag:s12] =	ssyncset.done $0x0  }
0x37: {  	[sflag:s12] =	ssyncadd.s32 $0xFFFFD800  }
0x38: {  	[tilespmem:s15], [sflag:$0x1] =	stream.indirect.gather [hbm4b:s4+s14], $0x80, s23, s14, $0xb8;
	[tilespmem:$0x1F380] =	vst v63  }
0x39: {  	_ =	swait.ge [sflag:s19], $0x2800  }
.Ltmp0:
0x3a: {  	[sflag:s19] =	ssyncset.done $0x0;
	(pc) =	sbr.rel @p0 .LBB2_2-.Ltmp0, $4  }
0x3b: {  	s26 =	sadd.s32 $0x2800, s28;
	[sflag:s19] =	ssyncadd.s32 $0xFFFFD800  }
0x3c: {  	[spmem:s2] =	stream.indirect.scatter.add.f32 [tilespmem:s17], [sflag:$0x4], $0x80, s26, s14, $0xb8;
	[tilespmem:$0x1F380] =	vst v63  }
0x3d: {  	_ =	swait.ge [sflag:s12], $0x2800  }
0x3e: {  	s23 =	sadd.s32 $0xA0, s23;
	[sflag:s12] =	ssyncset.done $0x0  }
0x3f: {  	s25 =	sadd.s32 $0xFFFFFFB0, s23;
	[sflag:s12] =	ssyncadd.s32 $0xFFFFD800  }
0x40: {  	[tilespmem:s17], [sflag:$0x2] =	stream.indirect.gather [hbm4b:s4+s14], $0x80, s25, s14, $0xb8;
	[tilespmem:$0x1F380] =	vst v63  }
0x41: {  	_ =	swait.ge [sflag:s18], $0x2800  }
0x42: {  	s24 =	sshra.s32 s24, $0x2;
	[sflag:s18] =	ssyncset.done $0x0  }
0x43: {  	s30 =	sadd.s32 $0x2780, s24;
	[sflag:s18] =	ssyncadd.s32 $0xFFFFD800  }
0x44: {  	[spmem:s2] =	stream.indirect.scatter.add.f32 [tilespmem:s15], [sflag:$0x4], $0x80, s30, s14, $0xb8;
	[tilespmem:$0x1F380] =	vst v63  }
0x45: {  	_ =	swait.ge [sflag:s12], $0x2800  }
0x46: {  	[sflag:s12] =	ssyncset.done $0x0  }
0x47: {  	[sflag:s12] =	ssyncadd.s32 $0xFFFFD800  }
0x48: {  	[tilespmem:s15], [sflag:$0x1] =	stream.indirect.gather [hbm4b:s4+s14], $0x80, s23, s14, $0xb8;
	[tilespmem:$0x1F380] =	vst v63  }
0x49: {  	_ =	swait.ge [sflag:s19], $0x2800  }
0x4a: {  	[sflag:s19] =	ssyncset.done $0x0  }
0x4b: {  	s31 =	sadd.s32 $0x2800, s24;
	[sflag:s19] =	ssyncadd.s32 $0xFFFFD800  }
0x4c: {  	[spmem:s2] =	stream.indirect.scatter.add.f32 [tilespmem:s17], [sflag:$0x4], $0x80, s31, s14, $0xb8;
	[tilespmem:$0x1F380] =	vst v63  }
0x4d: {  	_ =	swait.ge [sflag:s12], $0x2800  }
0x4e: {  	[sflag:s12] =	ssyncset.done $0x0  }
0x4f: {  	[sflag:s12] =	ssyncadd.s32 $0xFFFFD800  }
0x50: {  	_ =	swait.ge [sflag:s18], $0x2800  }
0x51: {  	[sflag:s18] =	ssyncset.done $0x0  }
0x52: {  	[sflag:s18] =	ssyncadd.s32 $0xFFFFD800  }
0x53: {  	[spmem:s2] =	stream.indirect.scatter.add.f32 [tilespmem:s15], [sflag:$0x4], $0x80, s20, s14, $0xb8;
	[tilespmem:$0x1F380] =	vst v63  }
0x54: {  	_ =	swait.ge [sflag:s12], $0x2800  }
0x55: {  	s22 =	sadd.s32 $0x1, s22;
	[sflag:s12] =	ssyncset.done $0x0  }
0x56: {  	p0 =	sne.s32 s22, s10;
	[sflag:s12] =	ssyncadd.s32 $0xFFFFD800  }
.Ltmp1:
0x57: {  	[bflag:$0x0] =	sbarrier.arrive $0xFFFF;
	(pc) =	sbr.rel @p0 .LBB2_1-.Ltmp1, $4  }
0x58: {  	[hbm:s9], [sflag:s21] =	dma.local [spmem:s11], $0x2780  }
0x59: {  	_ =	swait.ge [sflag:s12], $0x2780  }
0x5a: {  	[sflag:s12] =	ssyncset.done $0x0  }
0x5b: {  	[sflag:s12] =	ssyncadd.s32 $0xFFFFD880  }
0x5c: {  	_ =	sfence.sel $0x180000  }
0x5d: {  	[bflag:$0x0] =	sbarrier.arrive $0xFFFF  }
0x5e: {  	p0 =	sne.s32 s0, $0x0;
	_ =	strace $0x9000004D  }
0x5f: {  	s0 =	sadd.s32 @!p0 $0x100000, s1;
	[bflag:$0x2] =	sbarrier.arrive $0xFFFF  }
0x60: {  	[sflag:s0] =	ssyncadd.tile.s32 @!p0 $0x1;
	_ =	shalt  }
.Lfunc_end2:
_tile_overlayer_lowered:
.L_overlay_start_2:
0x61: {  	(tag) =	ssettag $0x2  }
0x62: {  	s0 =	rddreg [dreg:$0x0];
	s2 =	stileid.u32  }
0x63: {  	s1 =	rddreg [dreg:$0x1];
	p0 =	sne.s32 s2, $0x0  }
0x64: {  	s3 =	rddreg [dreg:$0x2];
	[bflag:$0x3] =	sbarrier.arrive $0xFFFF;
	s2 =	simm.s32 @!p0 $0x1C04  }
0x65: {  	[timem:s3], [sflag:s2] =	dma.local @!p0 [hbm:s0], s1  }
0x66: {  	s0 =	simm.s32 @!p0 $0x4  }
0x67: {  	_ =	swait.ge @!p0 [sflag:s0], s1  }
0x68: {  	s1 =	ssub.s32 @!p0 $0x0, s1;
	[sflag:s0] =	ssyncset.done @!p0 $0x0  }
0x69: {  	[sflag:s0] =	ssyncadd.s32 @!p0 s1  }
0x6a: {  	[bflag:$0x3] =	sbarrier.arrive $0xFFFF  }
0x6b: {  	_ =	shalt  }

</sc_bundles>
